<compile_context>
chip_gen: v7x
topology: tpu7x:2x2x1
jax: 0.10.2.dev20260603
libtpu: 0.0.44.dev20260713+nightly
codegen_flags: <defaults>
</compile_context>

<pallas_src>
import jax
import jax.numpy as jnp
from jax import lax
from jax.experimental import pallas as pl
from jax.experimental.pallas import tpu as pltpu
from jax.experimental.pallas import tpu_sc as plsc

_ROWS = 100000
_COLS = 256
_NC, _NS = 2, 16
_NW = _NC * _NS
_CHUNK_ROWS = 240
_STEPS = 13
_TAIL_BASE = _NW * _STEPS * _CHUNK_ROWS
_TAIL_PIECES = 4
_TAIL_ROWS = (_ROWS - _TAIL_BASE) // _TAIL_PIECES


def _sc_copy_body(src, dst, b0, b1, si0, si1, so0, so1):
    cid = lax.axis_index("c")
    sid = lax.axis_index("s")
    wid = cid * _NS + sid
    bufs = (b0, b1)
    in_sems = (si0, si1)
    out_sems = (so0, so1)

    def row0(k):
        return (wid + k * _NW) * _CHUNK_ROWS

    def start_in(k):
        i = k % 2
        return pltpu.async_copy(
            src.at[pl.ds(row0(k), _CHUNK_ROWS)], bufs[i], in_sems[i])

    def start_out(k):
        i = k % 2
        return pltpu.async_copy(
            bufs[i], dst.at[pl.ds(row0(k), _CHUNK_ROWS)], out_sems[i])

    in_p = [start_in(0), start_in(1)]
    out_p = [None, None]
    for k in range(_STEPS):
        i = k % 2
        in_p[i].wait()
        out_p[i] = start_out(k)
        nk = k + 2
        if nk < _STEPS:
            out_p[i].wait()
            in_p[i] = start_in(nk)

    p = (sid - (_NS - 2)) * _NC + cid
    is_tail = (sid >= _NS - 2) & (p < _TAIL_PIECES)
    out_p[(_STEPS - 2) % 2].wait()

    @pl.when(is_tail)
    def _():
        r0 = _TAIL_BASE + p * _TAIL_ROWS
        tb = b1.at[pl.ds(0, _TAIL_ROWS)]
        pltpu.async_copy(src.at[pl.ds(r0, _TAIL_ROWS)], tb, si1).wait()
        pltpu.async_copy(tb, dst.at[pl.ds(r0, _TAIL_ROWS)], so1).wait()

    out_p[(_STEPS - 1) % 2].wait()


def kernel(weight):
    mesh = plsc.VectorSubcoreMesh(core_axis_name="c", subcore_axis_name="s")
    return pl.kernel(
        _sc_copy_body,
        out_type=jax.ShapeDtypeStruct((_ROWS, _COLS), jnp.float32),
        mesh=mesh,
        scratch_types=[
            pltpu.VMEM((_CHUNK_ROWS, _COLS), jnp.float32),
            pltpu.VMEM((_CHUNK_ROWS, _COLS), jnp.float32),
            pltpu.SemaphoreType.DMA,
            pltpu.SemaphoreType.DMA,
            pltpu.SemaphoreType.DMA,
            pltpu.SemaphoreType.DMA,
        ],
    )(weight)

# --- scband reference (transcript-rebuilt; emitter-appended) ---
"""Pipeline reference for scband-dot-p-23665269801372 (READ-ONLY COPY).

The authoritative reference and input builder live on the scoring server;
editing this copy changes nothing except your own understanding.
"""

import jax, jax.numpy as jnp
import numpy as np

NUM_NODES = 100000
IN_CHANNELS = 256

def setup_inputs(seed: int = 0) -> dict:
    key = jax.random.key(seed)
    # nn.Embedding default init is N(0, 1)
    weight = jax.random.normal(key, (NUM_NODES, IN_CHANNELS), dtype=jnp.float32)
    return {"weight": weight}

def reference(weight):
    # forward simply returns the full embedding weight matrix
    x = weight
    return x

if __name__ == "__main__":
    import jax
    _d = setup_inputs()
    print(jax.jit(kernel)(*tuple(_d.values())))

</pallas_src>

<mosaic_0001>
#map = affine_map<(d0, d1) -> (0, 0)>
module attributes {stable_mosaic.version = 14 : i64} {
  func.func @_sc_copy_body(%arg0: i32, %arg1: i32, %arg2: memref<100000x256xf32, #tpu.memory_space<hbm>>, %arg3: memref<100000x256xf32, #tpu.memory_space<hbm>>, %arg4: memref<240x256xf32, #tpu.memory_space<vmem>>, %arg5: memref<240x256xf32, #tpu.memory_space<vmem>>, %arg6: memref<!tpu.dma_semaphore, #tpu.memory_space<semaphore_mem>>, %arg7: memref<!tpu.dma_semaphore, #tpu.memory_space<semaphore_mem>>, %arg8: memref<!tpu.dma_semaphore, #tpu.memory_space<semaphore_mem>>, %arg9: memref<!tpu.dma_semaphore, #tpu.memory_space<semaphore_mem>>) attributes {dimension_semantics = [#tpu.dimension_semantics<core_parallel>, #tpu.dimension_semantics<subcore_parallel>], iteration_bounds = array<i64: 2, 16>, scalar_prefetch = 0 : i64, scratch_operands = 6 : i64, tpu.core_type = #tpu.core_type<sc_vector_subcore>, window_params = [{transform_indices = #map}, {transform_indices = #map}]} {
    %mul3A = arith.constant 16 : i32
    %mul3A_0 = arith.muli %arg0, %mul3A : i32
    %add3A = arith.addi %mul3A_0, %arg1 : i32
    %add3A_1 = arith.constant 0 : i32
    %add3A_2 = arith.addi %add3A, %add3A_1 : i32
    %mul3A_3 = arith.constant 240 : i32
    %mul3A_4 = arith.muli %add3A_2, %mul3A_3 : i32
    %dma_start3A = arith.constant 0 : i32
    %dma_start3A_5 = tpu.memref_slice %arg2[%mul3A_4, %dma_start3A] : memref<100000x256xf32, #tpu.memory_space<hbm>> -> memref<240x256xf32, #tpu.memory_space<hbm>>
    %dma_start3A_6 = arith.constant 0 : i32
    %dma_start3A_7 = tpu.memref_slice %arg2[%mul3A_4, %dma_start3A_6] : memref<100000x256xf32, #tpu.memory_space<hbm>> -> memref<240x256xf32, #tpu.memory_space<hbm>>
    tpu.enqueue_dma source(%dma_start3A_7 : memref<240x256xf32, #tpu.memory_space<hbm>>) target(%arg4 : memref<240x256xf32, #tpu.memory_space<vmem>>) target_semaphore(%arg6 : memref<!tpu.dma_semaphore, #tpu.memory_space<semaphore_mem>>)
    %add3A_8 = arith.constant 32 : i32
    %add3A_9 = arith.addi %add3A, %add3A_8 : i32
    %mul3A_10 = arith.constant 240 : i32
    %mul3A_11 = arith.muli %add3A_9, %mul3A_10 : i32
    %dma_start3A_12 = arith.constant 0 : i32
    %dma_start3A_13 = tpu.memref_slice %arg2[%mul3A_11, %dma_start3A_12] : memref<100000x256xf32, #tpu.memory_space<hbm>> -> memref<240x256xf32, #tpu.memory_space<hbm>>
    %dma_start3A_14 = arith.constant 0 : i32
    %dma_start3A_15 = tpu.memref_slice %arg2[%mul3A_11, %dma_start3A_14] : memref<100000x256xf32, #tpu.memory_space<hbm>> -> memref<240x256xf32, #tpu.memory_space<hbm>>
    tpu.enqueue_dma source(%dma_start3A_15 : memref<240x256xf32, #tpu.memory_space<hbm>>) target(%arg5 : memref<240x256xf32, #tpu.memory_space<vmem>>) target_semaphore(%arg7 : memref<!tpu.dma_semaphore, #tpu.memory_space<semaphore_mem>>)
    %dma_wait3A = arith.constant 0 : i32
    %dma_wait3A_16 = tpu.memref_slice %arg2[%mul3A_4, %dma_wait3A] : memref<100000x256xf32, #tpu.memory_space<hbm>> -> memref<240x256xf32, #tpu.memory_space<hbm>>
    %dma_wait3A_17 = arith.constant 0 : i32
    %dma_wait3A_18 = tpu.memref_slice %arg2[%mul3A_4, %dma_wait3A_17] : memref<100000x256xf32, #tpu.memory_space<hbm>> -> memref<240x256xf32, #tpu.memory_space<hbm>>
    tpu.wait_dma2 semaphore(%arg6 : memref<!tpu.dma_semaphore, #tpu.memory_space<semaphore_mem>>) src(%dma_wait3A_18 : memref<240x256xf32, #tpu.memory_space<hbm>>) dst(%arg4 : memref<240x256xf32, #tpu.memory_space<vmem>>)
    %add3A_19 = arith.constant 0 : i32
    %add3A_20 = arith.addi %add3A, %add3A_19 : i32
    %mul3A_21 = arith.constant 240 : i32
    %mul3A_22 = arith.muli %add3A_20, %mul3A_21 : i32
    %dma_start3A_23 = arith.constant 0 : i32
    %dma_start3A_24 = tpu.memref_slice %arg3[%mul3A_22, %dma_start3A_23] : memref<100000x256xf32, #tpu.memory_space<hbm>> -> memref<240x256xf32, #tpu.memory_space<hbm>>
    %dma_start3A_25 = arith.constant 0 : i32
    %dma_start3A_26 = tpu.memref_slice %arg3[%mul3A_22, %dma_start3A_25] : memref<100000x256xf32, #tpu.memory_space<hbm>> -> memref<240x256xf32, #tpu.memory_space<hbm>>
    tpu.enqueue_dma source(%arg4 : memref<240x256xf32, #tpu.memory_space<vmem>>) target(%dma_start3A_26 : memref<240x256xf32, #tpu.memory_space<hbm>>) target_semaphore(%arg8 : memref<!tpu.dma_semaphore, #tpu.memory_space<semaphore_mem>>)
    %dma_wait3A_27 = arith.constant 0 : i32
    %dma_wait3A_28 = tpu.memref_slice %arg3[%mul3A_22, %dma_wait3A_27] : memref<100000x256xf32, #tpu.memory_space<hbm>> -> memref<240x256xf32, #tpu.memory_space<hbm>>
    %dma_wait3A_29 = arith.constant 0 : i32
    %dma_wait3A_30 = tpu.memref_slice %arg3[%mul3A_22, %dma_wait3A_29] : memref<100000x256xf32, #tpu.memory_space<hbm>> -> memref<240x256xf32, #tpu.memory_space<hbm>>
    tpu.wait_dma2 semaphore(%arg8 : memref<!tpu.dma_semaphore, #tpu.memory_space<semaphore_mem>>) src(%arg4 : memref<240x256xf32, #tpu.memory_space<vmem>>) dst(%dma_wait3A_30 : memref<240x256xf32, #tpu.memory_space<hbm>>)
    %add3A_31 = arith.constant 64 : i32
    %add3A_32 = arith.addi %add3A, %add3A_31 : i32
    %mul3A_33 = arith.constant 240 : i32
    %mul3A_34 = arith.muli %add3A_32, %mul3A_33 : i32
    %dma_start3A_35 = arith.constant 0 : i32
    %dma_start3A_36 = tpu.memref_slice %arg2[%mul3A_34, %dma_start3A_35] : memref<100000x256xf32, #tpu.memory_space<hbm>> -> memref<240x256xf32, #tpu.memory_space<hbm>>
    %dma_start3A_37 = arith.constant 0 : i32
    %dma_start3A_38 = tpu.memref_slice %arg2[%mul3A_34, %dma_start3A_37] : memref<100000x256xf32, #tpu.memory_space<hbm>> -> memref<240x256xf32, #tpu.memory_space<hbm>>
    tpu.enqueue_dma source(%dma_start3A_38 : memref<240x256xf32, #tpu.memory_space<hbm>>) target(%arg4 : memref<240x256xf32, #tpu.memory_space<vmem>>) target_semaphore(%arg6 : memref<!tpu.dma_semaphore, #tpu.memory_space<semaphore_mem>>)
    %dma_wait3A_39 = arith.constant 0 : i32
    %dma_wait3A_40 = tpu.memref_slice %arg2[%mul3A_11, %dma_wait3A_39] : memref<100000x256xf32, #tpu.memory_space<hbm>> -> memref<240x256xf32, #tpu.memory_space<hbm>>
    %dma_wait3A_41 = arith.constant 0 : i32
    %dma_wait3A_42 = tpu.memref_slice %arg2[%mul3A_11, %dma_wait3A_41] : memref<100000x256xf32, #tpu.memory_space<hbm>> -> memref<240x256xf32, #tpu.memory_space<hbm>>
    tpu.wait_dma2 semaphore(%arg7 : memref<!tpu.dma_semaphore, #tpu.memory_space<semaphore_mem>>) src(%dma_wait3A_42 : memref<240x256xf32, #tpu.memory_space<hbm>>) dst(%arg5 : memref<240x256xf32, #tpu.memory_space<vmem>>)
    %add3A_43 = arith.constant 32 : i32
    %add3A_44 = arith.addi %add3A, %add3A_43 : i32
    %mul3A_45 = arith.constant 240 : i32
    %mul3A_46 = arith.muli %add3A_44, %mul3A_45 : i32
    %dma_start3A_47 = arith.constant 0 : i32
    %dma_start3A_48 = tpu.memref_slice %arg3[%mul3A_46, %dma_start3A_47] : memref<100000x256xf32, #tpu.memory_space<hbm>> -> memref<240x256xf32, #tpu.memory_space<hbm>>
    %dma_start3A_49 = arith.constant 0 : i32
    %dma_start3A_50 = tpu.memref_slice %arg3[%mul3A_46, %dma_start3A_49] : memref<100000x256xf32, #tpu.memory_space<hbm>> -> memref<240x256xf32, #tpu.memory_space<hbm>>
    tpu.enqueue_dma source(%arg5 : memref<240x256xf32, #tpu.memory_space<vmem>>) target(%dma_start3A_50 : memref<240x256xf32, #tpu.memory_space<hbm>>) target_semaphore(%arg9 : memref<!tpu.dma_semaphore, #tpu.memory_space<semaphore_mem>>)
    %dma_wait3A_51 = arith.constant 0 : i32
    %dma_wait3A_52 = tpu.memref_slice %arg3[%mul3A_46, %dma_wait3A_51] : memref<100000x256xf32, #tpu.memory_space<hbm>> -> memref<240x256xf32, #tpu.memory_space<hbm>>
    %dma_wait3A_53 = arith.constant 0 : i32
    %dma_wait3A_54 = tpu.memref_slice %arg3[%mul3A_46, %dma_wait3A_53] : memref<100000x256xf32, #tpu.memory_space<hbm>> -> memref<240x256xf32, #tpu.memory_space<hbm>>
    tpu.wait_dma2 semaphore(%arg9 : memref<!tpu.dma_semaphore, #tpu.memory_space<semaphore_mem>>) src(%arg5 : memref<240x256xf32, #tpu.memory_space<vmem>>) dst(%dma_wait3A_54 : memref<240x256xf32, #tpu.memory_space<hbm>>)
    %add3A_55 = arith.constant 96 : i32
    %add3A_56 = arith.addi %add3A, %add3A_55 : i32
    %mul3A_57 = arith.constant 240 : i32
    %mul3A_58 = arith.muli %add3A_56, %mul3A_57 : i32
    %dma_start3A_59 = arith.constant 0 : i32
    %dma_start3A_60 = tpu.memref_slice %arg2[%mul3A_58, %dma_start3A_59] : memref<100000x256xf32, #tpu.memory_space<hbm>> -> memref<240x256xf32, #tpu.memory_space<hbm>>
    %dma_start3A_61 = arith.constant 0 : i32
    %dma_start3A_62 = tpu.memref_slice %arg2[%mul3A_58, %dma_start3A_61] : memref<100000x256xf32, #tpu.memory_space<hbm>> -> memref<240x256xf32, #tpu.memory_space<hbm>>
    tpu.enqueue_dma source(%dma_start3A_62 : memref<240x256xf32, #tpu.memory_space<hbm>>) target(%arg5 : memref<240x256xf32, #tpu.memory_space<vmem>>) target_semaphore(%arg7 : memref<!tpu.dma_semaphore, #tpu.memory_space<semaphore_mem>>)
    %dma_wait3A_63 = arith.constant 0 : i32
    %dma_wait3A_64 = tpu.memref_slice %arg2[%mul3A_34, %dma_wait3A_63] : memref<100000x256xf32, #tpu.memory_space<hbm>> -> memref<240x256xf32, #tpu.memory_space<hbm>>
    %dma_wait3A_65 = arith.constant 0 : i32
    %dma_wait3A_66 = tpu.memref_slice %arg2[%mul3A_34, %dma_wait3A_65] : memref<100000x256xf32, #tpu.memory_space<hbm>> -> memref<240x256xf32, #tpu.memory_space<hbm>>
    tpu.wait_dma2 semaphore(%arg6 : memref<!tpu.dma_semaphore, #tpu.memory_space<semaphore_mem>>) src(%dma_wait3A_66 : memref<240x256xf32, #tpu.memory_space<hbm>>) dst(%arg4 : memref<240x256xf32, #tpu.memory_space<vmem>>)
    %add3A_67 = arith.constant 64 : i32
    %add3A_68 = arith.addi %add3A, %add3A_67 : i32
    %mul3A_69 = arith.constant 240 : i32
    %mul3A_70 = arith.muli %add3A_68, %mul3A_69 : i32
    %dma_start3A_71 = arith.constant 0 : i32
    %dma_start3A_72 = tpu.memref_slice %arg3[%mul3A_70, %dma_start3A_71] : memref<100000x256xf32, #tpu.memory_space<hbm>> -> memref<240x256xf32, #tpu.memory_space<hbm>>
    %dma_start3A_73 = arith.constant 0 : i32
    %dma_start3A_74 = tpu.memref_slice %arg3[%mul3A_70, %dma_start3A_73] : memref<100000x256xf32, #tpu.memory_space<hbm>> -> memref<240x256xf32, #tpu.memory_space<hbm>>
    tpu.enqueue_dma source(%arg4 : memref<240x256xf32, #tpu.memory_space<vmem>>) target(%dma_start3A_74 : memref<240x256xf32, #tpu.memory_space<hbm>>) target_semaphore(%arg8 : memref<!tpu.dma_semaphore, #tpu.memory_space<semaphore_mem>>)
    %dma_wait3A_75 = arith.constant 0 : i32
    %dma_wait3A_76 = tpu.memref_slice %arg3[%mul3A_70, %dma_wait3A_75] : memref<100000x256xf32, #tpu.memory_space<hbm>> -> memref<240x256xf32, #tpu.memory_space<hbm>>
    %dma_wait3A_77 = arith.constant 0 : i32
    %dma_wait3A_78 = tpu.memref_slice %arg3[%mul3A_70, %dma_wait3A_77] : memref<100000x256xf32, #tpu.memory_space<hbm>> -> memref<240x256xf32, #tpu.memory_space<hbm>>
    tpu.wait_dma2 semaphore(%arg8 : memref<!tpu.dma_semaphore, #tpu.memory_space<semaphore_mem>>) src(%arg4 : memref<240x256xf32, #tpu.memory_space<vmem>>) dst(%dma_wait3A_78 : memref<240x256xf32, #tpu.memory_space<hbm>>)
    %add3A_79 = arith.constant 128 : i32
    %add3A_80 = arith.addi %add3A, %add3A_79 : i32
    %mul3A_81 = arith.constant 240 : i32
    %mul3A_82 = arith.muli %add3A_80, %mul3A_81 : i32
    %dma_start3A_83 = arith.constant 0 : i32
    %dma_start3A_84 = tpu.memref_slice %arg2[%mul3A_82, %dma_start3A_83] : memref<100000x256xf32, #tpu.memory_space<hbm>> -> memref<240x256xf32, #tpu.memory_space<hbm>>
    %dma_start3A_85 = arith.constant 0 : i32
    %dma_start3A_86 = tpu.memref_slice %arg2[%mul3A_82, %dma_start3A_85] : memref<100000x256xf32, #tpu.memory_space<hbm>> -> memref<240x256xf32, #tpu.memory_space<hbm>>
    tpu.enqueue_dma source(%dma_start3A_86 : memref<240x256xf32, #tpu.memory_space<hbm>>) target(%arg4 : memref<240x256xf32, #tpu.memory_space<vmem>>) target_semaphore(%arg6 : memref<!tpu.dma_semaphore, #tpu.memory_space<semaphore_mem>>)
    %dma_wait3A_87 = arith.constant 0 : i32
    %dma_wait3A_88 = tpu.memref_slice %arg2[%mul3A_58, %dma_wait3A_87] : memref<100000x256xf32, #tpu.memory_space<hbm>> -> memref<240x256xf32, #tpu.memory_space<hbm>>
    %dma_wait3A_89 = arith.constant 0 : i32
    %dma_wait3A_90 = tpu.memref_slice %arg2[%mul3A_58, %dma_wait3A_89] : memref<100000x256xf32, #tpu.memory_space<hbm>> -> memref<240x256xf32, #tpu.memory_space<hbm>>
    tpu.wait_dma2 semaphore(%arg7 : memref<!tpu.dma_semaphore, #tpu.memory_space<semaphore_mem>>) src(%dma_wait3A_90 : memref<240x256xf32, #tpu.memory_space<hbm>>) dst(%arg5 : memref<240x256xf32, #tpu.memory_space<vmem>>)
    %add3A_91 = arith.constant 96 : i32
    %add3A_92 = arith.addi %add3A, %add3A_91 : i32
    %mul3A_93 = arith.constant 240 : i32
    %mul3A_94 = arith.muli %add3A_92, %mul3A_93 : i32
    %dma_start3A_95 = arith.constant 0 : i32
    %dma_start3A_96 = tpu.memref_slice %arg3[%mul3A_94, %dma_start3A_95] : memref<100000x256xf32, #tpu.memory_space<hbm>> -> memref<240x256xf32, #tpu.memory_space<hbm>>
    %dma_start3A_97 = arith.constant 0 : i32
    %dma_start3A_98 = tpu.memref_slice %arg3[%mul3A_94, %dma_start3A_97] : memref<100000x256xf32, #tpu.memory_space<hbm>> -> memref<240x256xf32, #tpu.memory_space<hbm>>
    tpu.enqueue_dma source(%arg5 : memref<240x256xf32, #tpu.memory_space<vmem>>) target(%dma_start3A_98 : memref<240x256xf32, #tpu.memory_space<hbm>>) target_semaphore(%arg9 : memref<!tpu.dma_semaphore, #tpu.memory_space<semaphore_mem>>)
    %dma_wait3A_99 = arith.constant 0 : i32
    %dma_wait3A_100 = tpu.memref_slice %arg3[%mul3A_94, %dma_wait3A_99] : memref<100000x256xf32, #tpu.memory_space<hbm>> -> memref<240x256xf32, #tpu.memory_space<hbm>>
    %dma_wait3A_101 = arith.constant 0 : i32
    %dma_wait3A_102 = tpu.memref_slice %arg3[%mul3A_94, %dma_wait3A_101] : memref<100000x256xf32, #tpu.memory_space<hbm>> -> memref<240x256xf32, #tpu.memory_space<hbm>>
    tpu.wait_dma2 semaphore(%arg9 : memref<!tpu.dma_semaphore, #tpu.memory_space<semaphore_mem>>) src(%arg5 : memref<240x256xf32, #tpu.memory_space<vmem>>) dst(%dma_wait3A_102 : memref<240x256xf32, #tpu.memory_space<hbm>>)
    %add3A_103 = arith.constant 160 : i32
    %add3A_104 = arith.addi %add3A, %add3A_103 : i32
    %mul3A_105 = arith.constant 240 : i32
    %mul3A_106 = arith.muli %add3A_104, %mul3A_105 : i32
    %dma_start3A_107 = arith.constant 0 : i32
    %dma_start3A_108 = tpu.memref_slice %arg2[%mul3A_106, %dma_start3A_107] : memref<100000x256xf32, #tpu.memory_space<hbm>> -> memref<240x256xf32, #tpu.memory_space<hbm>>
    %dma_start3A_109 = arith.constant 0 : i32
    %dma_start3A_110 = tpu.memref_slice %arg2[%mul3A_106, %dma_start3A_109] : memref<100000x256xf32, #tpu.memory_space<hbm>> -> memref<240x256xf32, #tpu.memory_space<hbm>>
    tpu.enqueue_dma source(%dma_start3A_110 : memref<240x256xf32, #tpu.memory_space<hbm>>) target(%arg5 : memref<240x256xf32, #tpu.memory_space<vmem>>) target_semaphore(%arg7 : memref<!tpu.dma_semaphore, #tpu.memory_space<semaphore_mem>>)
    %dma_wait3A_111 = arith.constant 0 : i32
    %dma_wait3A_112 = tpu.memref_slice %arg2[%mul3A_82, %dma_wait3A_111] : memref<100000x256xf32, #tpu.memory_space<hbm>> -> memref<240x256xf32, #tpu.memory_space<hbm>>
    %dma_wait3A_113 = arith.constant 0 : i32
    %dma_wait3A_114 = tpu.memref_slice %arg2[%mul3A_82, %dma_wait3A_113] : memref<100000x256xf32, #tpu.memory_space<hbm>> -> memref<240x256xf32, #tpu.memory_space<hbm>>
    tpu.wait_dma2 semaphore(%arg6 : memref<!tpu.dma_semaphore, #tpu.memory_space<semaphore_mem>>) src(%dma_wait3A_114 : memref<240x256xf32, #tpu.memory_space<hbm>>) dst(%arg4 : memref<240x256xf32, #tpu.memory_space<vmem>>)
    %add3A_115 = arith.constant 128 : i32
    %add3A_116 = arith.addi %add3A, %add3A_115 : i32
    %mul3A_117 = arith.constant 240 : i32
    %mul3A_118 = arith.muli %add3A_116, %mul3A_117 : i32
    %dma_start3A_119 = arith.constant 0 : i32
    %dma_start3A_120 = tpu.memref_slice %arg3[%mul3A_118, %dma_start3A_119] : memref<100000x256xf32, #tpu.memory_space<hbm>> -> memref<240x256xf32, #tpu.memory_space<hbm>>
    %dma_start3A_121 = arith.constant 0 : i32
    %dma_start3A_122 = tpu.memref_slice %arg3[%mul3A_118, %dma_start3A_121] : memref<100000x256xf32, #tpu.memory_space<hbm>> -> memref<240x256xf32, #tpu.memory_space<hbm>>
    tpu.enqueue_dma source(%arg4 : memref<240x256xf32, #tpu.memory_space<vmem>>) target(%dma_start3A_122 : memref<240x256xf32, #tpu.memory_space<hbm>>) target_semaphore(%arg8 : memref<!tpu.dma_semaphore, #tpu.memory_space<semaphore_mem>>)
    %dma_wait3A_123 = arith.constant 0 : i32
    %dma_wait3A_124 = tpu.memref_slice %arg3[%mul3A_118, %dma_wait3A_123] : memref<100000x256xf32, #tpu.memory_space<hbm>> -> memref<240x256xf32, #tpu.memory_space<hbm>>
    %dma_wait3A_125 = arith.constant 0 : i32
    %dma_wait3A_126 = tpu.memref_slice %arg3[%mul3A_118, %dma_wait3A_125] : memref<100000x256xf32, #tpu.memory_space<hbm>> -> memref<240x256xf32, #tpu.memory_space<hbm>>
    tpu.wait_dma2 semaphore(%arg8 : memref<!tpu.dma_semaphore, #tpu.memory_space<semaphore_mem>>) src(%arg4 : memref<240x256xf32, #tpu.memory_space<vmem>>) dst(%dma_wait3A_126 : memref<240x256xf32, #tpu.memory_space<hbm>>)
    %add3A_127 = arith.constant 192 : i32
    %add3A_128 = arith.addi %add3A, %add3A_127 : i32
    %mul3A_129 = arith.constant 240 : i32
    %mul3A_130 = arith.muli %add3A_128, %mul3A_129 : i32
    %dma_start3A_131 = arith.constant 0 : i32
    %dma_start3A_132 = tpu.memref_slice %arg2[%mul3A_130, %dma_start3A_131] : memref<100000x256xf32, #tpu.memory_space<hbm>> -> memref<240x256xf32, #tpu.memory_space<hbm>>
    %dma_start3A_133 = arith.constant 0 : i32
    %dma_start3A_134 = tpu.memref_slice %arg2[%mul3A_130, %dma_start3A_133] : memref<100000x256xf32, #tpu.memory_space<hbm>> -> memref<240x256xf32, #tpu.memory_space<hbm>>
    tpu.enqueue_dma source(%dma_start3A_134 : memref<240x256xf32, #tpu.memory_space<hbm>>) target(%arg4 : memref<240x256xf32, #tpu.memory_space<vmem>>) target_semaphore(%arg6 : memref<!tpu.dma_semaphore, #tpu.memory_space<semaphore_mem>>)
    %dma_wait3A_135 = arith.constant 0 : i32
    %dma_wait3A_136 = tpu.memref_slice %arg2[%mul3A_106, %dma_wait3A_135] : memref<100000x256xf32, #tpu.memory_space<hbm>> -> memref<240x256xf32, #tpu.memory_space<hbm>>
    %dma_wait3A_137 = arith.constant 0 : i32
    %dma_wait3A_138 = tpu.memref_slice %arg2[%mul3A_106, %dma_wait3A_137] : memref<100000x256xf32, #tpu.memory_space<hbm>> -> memref<240x256xf32, #tpu.memory_space<hbm>>
    tpu.wait_dma2 semaphore(%arg7 : memref<!tpu.dma_semaphore, #tpu.memory_space<semaphore_mem>>) src(%dma_wait3A_138 : memref<240x256xf32, #tpu.memory_space<hbm>>) dst(%arg5 : memref<240x256xf32, #tpu.memory_space<vmem>>)
    %add3A_139 = arith.constant 160 : i32
    %add3A_140 = arith.addi %add3A, %add3A_139 : i32
    %mul3A_141 = arith.constant 240 : i32
    %mul3A_142 = arith.muli %add3A_140, %mul3A_141 : i32
    %dma_start3A_143 = arith.constant 0 : i32
    %dma_start3A_144 = tpu.memref_slice %arg3[%mul3A_142, %dma_start3A_143] : memref<100000x256xf32, #tpu.memory_space<hbm>> -> memref<240x256xf32, #tpu.memory_space<hbm>>
    %dma_start3A_145 = arith.constant 0 : i32
    %dma_start3A_146 = tpu.memref_slice %arg3[%mul3A_142, %dma_start3A_145] : memref<100000x256xf32, #tpu.memory_space<hbm>> -> memref<240x256xf32, #tpu.memory_space<hbm>>
    tpu.enqueue_dma source(%arg5 : memref<240x256xf32, #tpu.memory_space<vmem>>) target(%dma_start3A_146 : memref<240x256xf32, #tpu.memory_space<hbm>>) target_semaphore(%arg9 : memref<!tpu.dma_semaphore, #tpu.memory_space<semaphore_mem>>)
    %dma_wait3A_147 = arith.constant 0 : i32
    %dma_wait3A_148 = tpu.memref_slice %arg3[%mul3A_142, %dma_wait3A_147] : memref<100000x256xf32, #tpu.memory_space<hbm>> -> memref<240x256xf32, #tpu.memory_space<hbm>>
    %dma_wait3A_149 = arith.constant 0 : i32
    %dma_wait3A_150 = tpu.memref_slice %arg3[%mul3A_142, %dma_wait3A_149] : memref<100000x256xf32, #tpu.memory_space<hbm>> -> memref<240x256xf32, #tpu.memory_space<hbm>>
    tpu.wait_dma2 semaphore(%arg9 : memref<!tpu.dma_semaphore, #tpu.memory_space<semaphore_mem>>) src(%arg5 : memref<240x256xf32, #tpu.memory_space<vmem>>) dst(%dma_wait3A_150 : memref<240x256xf32, #tpu.memory_space<hbm>>)
    %add3A_151 = arith.constant 224 : i32
    %add3A_152 = arith.addi %add3A, %add3A_151 : i32
    %mul3A_153 = arith.constant 240 : i32
    %mul3A_154 = arith.muli %add3A_152, %mul3A_153 : i32
    %dma_start3A_155 = arith.constant 0 : i32
    %dma_start3A_156 = tpu.memref_slice %arg2[%mul3A_154, %dma_start3A_155] : memref<100000x256xf32, #tpu.memory_space<hbm>> -> memref<240x256xf32, #tpu.memory_space<hbm>>
    %dma_start3A_157 = arith.constant 0 : i32
    %dma_start3A_158 = tpu.memref_slice %arg2[%mul3A_154, %dma_start3A_157] : memref<100000x256xf32, #tpu.memory_space<hbm>> -> memref<240x256xf32, #tpu.memory_space<hbm>>
    tpu.enqueue_dma source(%dma_start3A_158 : memref<240x256xf32, #tpu.memory_space<hbm>>) target(%arg5 : memref<240x256xf32, #tpu.memory_space<vmem>>) target_semaphore(%arg7 : memref<!tpu.dma_semaphore, #tpu.memory_space<semaphore_mem>>)
    %dma_wait3A_159 = arith.constant 0 : i32
    %dma_wait3A_160 = tpu.memref_slice %arg2[%mul3A_130, %dma_wait3A_159] : memref<100000x256xf32, #tpu.memory_space<hbm>> -> memref<240x256xf32, #tpu.memory_space<hbm>>
    %dma_wait3A_161 = arith.constant 0 : i32
    %dma_wait3A_162 = tpu.memref_slice %arg2[%mul3A_130, %dma_wait3A_161] : memref<100000x256xf32, #tpu.memory_space<hbm>> -> memref<240x256xf32, #tpu.memory_space<hbm>>
    tpu.wait_dma2 semaphore(%arg6 : memref<!tpu.dma_semaphore, #tpu.memory_space<semaphore_mem>>) src(%dma_wait3A_162 : memref<240x256xf32, #tpu.memory_space<hbm>>) dst(%arg4 : memref<240x256xf32, #tpu.memory_space<vmem>>)
    %add3A_163 = arith.constant 192 : i32
    %add3A_164 = arith.addi %add3A, %add3A_163 : i32
    %mul3A_165 = arith.constant 240 : i32
    %mul3A_166 = arith.muli %add3A_164, %mul3A_165 : i32
    %dma_start3A_167 = arith.constant 0 : i32
    %dma_start3A_168 = tpu.memref_slice %arg3[%mul3A_166, %dma_start3A_167] : memref<100000x256xf32, #tpu.memory_space<hbm>> -> memref<240x256xf32, #tpu.memory_space<hbm>>
    %dma_start3A_169 = arith.constant 0 : i32
    %dma_start3A_170 = tpu.memref_slice %arg3[%mul3A_166, %dma_start3A_169] : memref<100000x256xf32, #tpu.memory_space<hbm>> -> memref<240x256xf32, #tpu.memory_space<hbm>>
    tpu.enqueue_dma source(%arg4 : memref<240x256xf32, #tpu.memory_space<vmem>>) target(%dma_start3A_170 : memref<240x256xf32, #tpu.memory_space<hbm>>) target_semaphore(%arg8 : memref<!tpu.dma_semaphore, #tpu.memory_space<semaphore_mem>>)
    %dma_wait3A_171 = arith.constant 0 : i32
    %dma_wait3A_172 = tpu.memref_slice %arg3[%mul3A_166, %dma_wait3A_171] : memref<100000x256xf32, #tpu.memory_space<hbm>> -> memref<240x256xf32, #tpu.memory_space<hbm>>
    %dma_wait3A_173 = arith.constant 0 : i32
    %dma_wait3A_174 = tpu.memref_slice %arg3[%mul3A_166, %dma_wait3A_173] : memref<100000x256xf32, #tpu.memory_space<hbm>> -> memref<240x256xf32, #tpu.memory_space<hbm>>
    tpu.wait_dma2 semaphore(%arg8 : memref<!tpu.dma_semaphore, #tpu.memory_space<semaphore_mem>>) src(%arg4 : memref<240x256xf32, #tpu.memory_space<vmem>>) dst(%dma_wait3A_174 : memref<240x256xf32, #tpu.memory_space<hbm>>)
    %add3A_175 = arith.constant 256 : i32
    %add3A_176 = arith.addi %add3A, %add3A_175 : i32
    %mul3A_177 = arith.constant 240 : i32
    %mul3A_178 = arith.muli %add3A_176, %mul3A_177 : i32
    %dma_start3A_179 = arith.constant 0 : i32
    %dma_start3A_180 = tpu.memref_slice %arg2[%mul3A_178, %dma_start3A_179] : memref<100000x256xf32, #tpu.memory_space<hbm>> -> memref<240x256xf32, #tpu.memory_space<hbm>>
    %dma_start3A_181 = arith.constant 0 : i32
    %dma_start3A_182 = tpu.memref_slice %arg2[%mul3A_178, %dma_start3A_181] : memref<100000x256xf32, #tpu.memory_space<hbm>> -> memref<240x256xf32, #tpu.memory_space<hbm>>
    tpu.enqueue_dma source(%dma_start3A_182 : memref<240x256xf32, #tpu.memory_space<hbm>>) target(%arg4 : memref<240x256xf32, #tpu.memory_space<vmem>>) target_semaphore(%arg6 : memref<!tpu.dma_semaphore, #tpu.memory_space<semaphore_mem>>)
    %dma_wait3A_183 = arith.constant 0 : i32
    %dma_wait3A_184 = tpu.memref_slice %arg2[%mul3A_154, %dma_wait3A_183] : memref<100000x256xf32, #tpu.memory_space<hbm>> -> memref<240x256xf32, #tpu.memory_space<hbm>>
    %dma_wait3A_185 = arith.constant 0 : i32
    %dma_wait3A_186 = tpu.memref_slice %arg2[%mul3A_154, %dma_wait3A_185] : memref<100000x256xf32, #tpu.memory_space<hbm>> -> memref<240x256xf32, #tpu.memory_space<hbm>>
    tpu.wait_dma2 semaphore(%arg7 : memref<!tpu.dma_semaphore, #tpu.memory_space<semaphore_mem>>) src(%dma_wait3A_186 : memref<240x256xf32, #tpu.memory_space<hbm>>) dst(%arg5 : memref<240x256xf32, #tpu.memory_space<vmem>>)
    %add3A_187 = arith.constant 224 : i32
    %add3A_188 = arith.addi %add3A, %add3A_187 : i32
    %mul3A_189 = arith.constant 240 : i32
    %mul3A_190 = arith.muli %add3A_188, %mul3A_189 : i32
    %dma_start3A_191 = arith.constant 0 : i32
    %dma_start3A_192 = tpu.memref_slice %arg3[%mul3A_190, %dma_start3A_191] : memref<100000x256xf32, #tpu.memory_space<hbm>> -> memref<240x256xf32, #tpu.memory_space<hbm>>
    %dma_start3A_193 = arith.constant 0 : i32
    %dma_start3A_194 = tpu.memref_slice %arg3[%mul3A_190, %dma_start3A_193] : memref<100000x256xf32, #tpu.memory_space<hbm>> -> memref<240x256xf32, #tpu.memory_space<hbm>>
    tpu.enqueue_dma source(%arg5 : memref<240x256xf32, #tpu.memory_space<vmem>>) target(%dma_start3A_194 : memref<240x256xf32, #tpu.memory_space<hbm>>) target_semaphore(%arg9 : memref<!tpu.dma_semaphore, #tpu.memory_space<semaphore_mem>>)
    %dma_wait3A_195 = arith.constant 0 : i32
    %dma_wait3A_196 = tpu.memref_slice %arg3[%mul3A_190, %dma_wait3A_195] : memref<100000x256xf32, #tpu.memory_space<hbm>> -> memref<240x256xf32, #tpu.memory_space<hbm>>
    %dma_wait3A_197 = arith.constant 0 : i32
    %dma_wait3A_198 = tpu.memref_slice %arg3[%mul3A_190, %dma_wait3A_197] : memref<100000x256xf32, #tpu.memory_space<hbm>> -> memref<240x256xf32, #tpu.memory_space<hbm>>
    tpu.wait_dma2 semaphore(%arg9 : memref<!tpu.dma_semaphore, #tpu.memory_space<semaphore_mem>>) src(%arg5 : memref<240x256xf32, #tpu.memory_space<vmem>>) dst(%dma_wait3A_198 : memref<240x256xf32, #tpu.memory_space<hbm>>)
    %add3A_199 = arith.constant 288 : i32
    %add3A_200 = arith.addi %add3A, %add3A_199 : i32
    %mul3A_201 = arith.constant 240 : i32
    %mul3A_202 = arith.muli %add3A_200, %mul3A_201 : i32
    %dma_start3A_203 = arith.constant 0 : i32
    %dma_start3A_204 = tpu.memref_slice %arg2[%mul3A_202, %dma_start3A_203] : memref<100000x256xf32, #tpu.memory_space<hbm>> -> memref<240x256xf32, #tpu.memory_space<hbm>>
    %dma_start3A_205 = arith.constant 0 : i32
    %dma_start3A_206 = tpu.memref_slice %arg2[%mul3A_202, %dma_start3A_205] : memref<100000x256xf32, #tpu.memory_space<hbm>> -> memref<240x256xf32, #tpu.memory_space<hbm>>
    tpu.enqueue_dma source(%dma_start3A_206 : memref<240x256xf32, #tpu.memory_space<hbm>>) target(%arg5 : memref<240x256xf32, #tpu.memory_space<vmem>>) target_semaphore(%arg7 : memref<!tpu.dma_semaphore, #tpu.memory_space<semaphore_mem>>)
    %dma_wait3A_207 = arith.constant 0 : i32
    %dma_wait3A_208 = tpu.memref_slice %arg2[%mul3A_178, %dma_wait3A_207] : memref<100000x256xf32, #tpu.memory_space<hbm>> -> memref<240x256xf32, #tpu.memory_space<hbm>>
    %dma_wait3A_209 = arith.constant 0 : i32
    %dma_wait3A_210 = tpu.memref_slice %arg2[%mul3A_178, %dma_wait3A_209] : memref<100000x256xf32, #tpu.memory_space<hbm>> -> memref<240x256xf32, #tpu.memory_space<hbm>>
    tpu.wait_dma2 semaphore(%arg6 : memref<!tpu.dma_semaphore, #tpu.memory_space<semaphore_mem>>) src(%dma_wait3A_210 : memref<240x256xf32, #tpu.memory_space<hbm>>) dst(%arg4 : memref<240x256xf32, #tpu.memory_space<vmem>>)
    %add3A_211 = arith.constant 256 : i32
    %add3A_212 = arith.addi %add3A, %add3A_211 : i32
    %mul3A_213 = arith.constant 240 : i32
    %mul3A_214 = arith.muli %add3A_212, %mul3A_213 : i32
    %dma_start3A_215 = arith.constant 0 : i32
    %dma_start3A_216 = tpu.memref_slice %arg3[%mul3A_214, %dma_start3A_215] : memref<100000x256xf32, #tpu.memory_space<hbm>> -> memref<240x256xf32, #tpu.memory_space<hbm>>
    %dma_start3A_217 = arith.constant 0 : i32
    %dma_start3A_218 = tpu.memref_slice %arg3[%mul3A_214, %dma_start3A_217] : memref<100000x256xf32, #tpu.memory_space<hbm>> -> memref<240x256xf32, #tpu.memory_space<hbm>>
    tpu.enqueue_dma source(%arg4 : memref<240x256xf32, #tpu.memory_space<vmem>>) target(%dma_start3A_218 : memref<240x256xf32, #tpu.memory_space<hbm>>) target_semaphore(%arg8 : memref<!tpu.dma_semaphore, #tpu.memory_space<semaphore_mem>>)
    %dma_wait3A_219 = arith.constant 0 : i32
    %dma_wait3A_220 = tpu.memref_slice %arg3[%mul3A_214, %dma_wait3A_219] : memref<100000x256xf32, #tpu.memory_space<hbm>> -> memref<240x256xf32, #tpu.memory_space<hbm>>
    %dma_wait3A_221 = arith.constant 0 : i32
    %dma_wait3A_222 = tpu.memref_slice %arg3[%mul3A_214, %dma_wait3A_221] : memref<100000x256xf32, #tpu.memory_space<hbm>> -> memref<240x256xf32, #tpu.memory_space<hbm>>
    tpu.wait_dma2 semaphore(%arg8 : memref<!tpu.dma_semaphore, #tpu.memory_space<semaphore_mem>>) src(%arg4 : memref<240x256xf32, #tpu.memory_space<vmem>>) dst(%dma_wait3A_222 : memref<240x256xf32, #tpu.memory_space<hbm>>)
    %add3A_223 = arith.constant 320 : i32
    %add3A_224 = arith.addi %add3A, %add3A_223 : i32
    %mul3A_225 = arith.constant 240 : i32
    %mul3A_226 = arith.muli %add3A_224, %mul3A_225 : i32
    %dma_start3A_227 = arith.constant 0 : i32
    %dma_start3A_228 = tpu.memref_slice %arg2[%mul3A_226, %dma_start3A_227] : memref<100000x256xf32, #tpu.memory_space<hbm>> -> memref<240x256xf32, #tpu.memory_space<hbm>>
    %dma_start3A_229 = arith.constant 0 : i32
    %dma_start3A_230 = tpu.memref_slice %arg2[%mul3A_226, %dma_start3A_229] : memref<100000x256xf32, #tpu.memory_space<hbm>> -> memref<240x256xf32, #tpu.memory_space<hbm>>
    tpu.enqueue_dma source(%dma_start3A_230 : memref<240x256xf32, #tpu.memory_space<hbm>>) target(%arg4 : memref<240x256xf32, #tpu.memory_space<vmem>>) target_semaphore(%arg6 : memref<!tpu.dma_semaphore, #tpu.memory_space<semaphore_mem>>)
    %dma_wait3A_231 = arith.constant 0 : i32
    %dma_wait3A_232 = tpu.memref_slice %arg2[%mul3A_202, %dma_wait3A_231] : memref<100000x256xf32, #tpu.memory_space<hbm>> -> memref<240x256xf32, #tpu.memory_space<hbm>>
    %dma_wait3A_233 = arith.constant 0 : i32
    %dma_wait3A_234 = tpu.memref_slice %arg2[%mul3A_202, %dma_wait3A_233] : memref<100000x256xf32, #tpu.memory_space<hbm>> -> memref<240x256xf32, #tpu.memory_space<hbm>>
    tpu.wait_dma2 semaphore(%arg7 : memref<!tpu.dma_semaphore, #tpu.memory_space<semaphore_mem>>) src(%dma_wait3A_234 : memref<240x256xf32, #tpu.memory_space<hbm>>) dst(%arg5 : memref<240x256xf32, #tpu.memory_space<vmem>>)
    %add3A_235 = arith.constant 288 : i32
    %add3A_236 = arith.addi %add3A, %add3A_235 : i32
    %mul3A_237 = arith.constant 240 : i32
    %mul3A_238 = arith.muli %add3A_236, %mul3A_237 : i32
    %dma_start3A_239 = arith.constant 0 : i32
    %dma_start3A_240 = tpu.memref_slice %arg3[%mul3A_238, %dma_start3A_239] : memref<100000x256xf32, #tpu.memory_space<hbm>> -> memref<240x256xf32, #tpu.memory_space<hbm>>
    %dma_start3A_241 = arith.constant 0 : i32
    %dma_start3A_242 = tpu.memref_slice %arg3[%mul3A_238, %dma_start3A_241] : memref<100000x256xf32, #tpu.memory_space<hbm>> -> memref<240x256xf32, #tpu.memory_space<hbm>>
    tpu.enqueue_dma source(%arg5 : memref<240x256xf32, #tpu.memory_space<vmem>>) target(%dma_start3A_242 : memref<240x256xf32, #tpu.memory_space<hbm>>) target_semaphore(%arg9 : memref<!tpu.dma_semaphore, #tpu.memory_space<semaphore_mem>>)
    %dma_wait3A_243 = arith.constant 0 : i32
    %dma_wait3A_244 = tpu.memref_slice %arg3[%mul3A_238, %dma_wait3A_243] : memref<100000x256xf32, #tpu.memory_space<hbm>> -> memref<240x256xf32, #tpu.memory_space<hbm>>
    %dma_wait3A_245 = arith.constant 0 : i32
    %dma_wait3A_246 = tpu.memref_slice %arg3[%mul3A_238, %dma_wait3A_245] : memref<100000x256xf32, #tpu.memory_space<hbm>> -> memref<240x256xf32, #tpu.memory_space<hbm>>
    tpu.wait_dma2 semaphore(%arg9 : memref<!tpu.dma_semaphore, #tpu.memory_space<semaphore_mem>>) src(%arg5 : memref<240x256xf32, #tpu.memory_space<vmem>>) dst(%dma_wait3A_246 : memref<240x256xf32, #tpu.memory_space<hbm>>)
    %add3A_247 = arith.constant 352 : i32
    %add3A_248 = arith.addi %add3A, %add3A_247 : i32
    %mul3A_249 = arith.constant 240 : i32
    %mul3A_250 = arith.muli %add3A_248, %mul3A_249 : i32
    %dma_start3A_251 = arith.constant 0 : i32
    %dma_start3A_252 = tpu.memref_slice %arg2[%mul3A_250, %dma_start3A_251] : memref<100000x256xf32, #tpu.memory_space<hbm>> -> memref<240x256xf32, #tpu.memory_space<hbm>>
    %dma_start3A_253 = arith.constant 0 : i32
    %dma_start3A_254 = tpu.memref_slice %arg2[%mul3A_250, %dma_start3A_253] : memref<100000x256xf32, #tpu.memory_space<hbm>> -> memref<240x256xf32, #tpu.memory_space<hbm>>
    tpu.enqueue_dma source(%dma_start3A_254 : memref<240x256xf32, #tpu.memory_space<hbm>>) target(%arg5 : memref<240x256xf32, #tpu.memory_space<vmem>>) target_semaphore(%arg7 : memref<!tpu.dma_semaphore, #tpu.memory_space<semaphore_mem>>)
    %dma_wait3A_255 = arith.constant 0 : i32
    %dma_wait3A_256 = tpu.memref_slice %arg2[%mul3A_226, %dma_wait3A_255] : memref<100000x256xf32, #tpu.memory_space<hbm>> -> memref<240x256xf32, #tpu.memory_space<hbm>>
    %dma_wait3A_257 = arith.constant 0 : i32
    %dma_wait3A_258 = tpu.memref_slice %arg2[%mul3A_226, %dma_wait3A_257] : memref<100000x256xf32, #tpu.memory_space<hbm>> -> memref<240x256xf32, #tpu.memory_space<hbm>>
    tpu.wait_dma2 semaphore(%arg6 : memref<!tpu.dma_semaphore, #tpu.memory_space<semaphore_mem>>) src(%dma_wait3A_258 : memref<240x256xf32, #tpu.memory_space<hbm>>) dst(%arg4 : memref<240x256xf32, #tpu.memory_space<vmem>>)
    %add3A_259 = arith.constant 320 : i32
    %add3A_260 = arith.addi %add3A, %add3A_259 : i32
    %mul3A_261 = arith.constant 240 : i32
    %mul3A_262 = arith.muli %add3A_260, %mul3A_261 : i32
    %dma_start3A_263 = arith.constant 0 : i32
    %dma_start3A_264 = tpu.memref_slice %arg3[%mul3A_262, %dma_start3A_263] : memref<100000x256xf32, #tpu.memory_space<hbm>> -> memref<240x256xf32, #tpu.memory_space<hbm>>
    %dma_start3A_265 = arith.constant 0 : i32
    %dma_start3A_266 = tpu.memref_slice %arg3[%mul3A_262, %dma_start3A_265] : memref<100000x256xf32, #tpu.memory_space<hbm>> -> memref<240x256xf32, #tpu.memory_space<hbm>>
    tpu.enqueue_dma source(%arg4 : memref<240x256xf32, #tpu.memory_space<vmem>>) target(%dma_start3A_266 : memref<240x256xf32, #tpu.memory_space<hbm>>) target_semaphore(%arg8 : memref<!tpu.dma_semaphore, #tpu.memory_space<semaphore_mem>>)
    %dma_wait3A_267 = arith.constant 0 : i32
    %dma_wait3A_268 = tpu.memref_slice %arg3[%mul3A_262, %dma_wait3A_267] : memref<100000x256xf32, #tpu.memory_space<hbm>> -> memref<240x256xf32, #tpu.memory_space<hbm>>
    %dma_wait3A_269 = arith.constant 0 : i32
    %dma_wait3A_270 = tpu.memref_slice %arg3[%mul3A_262, %dma_wait3A_269] : memref<100000x256xf32, #tpu.memory_space<hbm>> -> memref<240x256xf32, #tpu.memory_space<hbm>>
    tpu.wait_dma2 semaphore(%arg8 : memref<!tpu.dma_semaphore, #tpu.memory_space<semaphore_mem>>) src(%arg4 : memref<240x256xf32, #tpu.memory_space<vmem>>) dst(%dma_wait3A_270 : memref<240x256xf32, #tpu.memory_space<hbm>>)
    %add3A_271 = arith.constant 384 : i32
    %add3A_272 = arith.addi %add3A, %add3A_271 : i32
    %mul3A_273 = arith.constant 240 : i32
    %mul3A_274 = arith.muli %add3A_272, %mul3A_273 : i32
    %dma_start3A_275 = arith.constant 0 : i32
    %dma_start3A_276 = tpu.memref_slice %arg2[%mul3A_274, %dma_start3A_275] : memref<100000x256xf32, #tpu.memory_space<hbm>> -> memref<240x256xf32, #tpu.memory_space<hbm>>
    %dma_start3A_277 = arith.constant 0 : i32
    %dma_start3A_278 = tpu.memref_slice %arg2[%mul3A_274, %dma_start3A_277] : memref<100000x256xf32, #tpu.memory_space<hbm>> -> memref<240x256xf32, #tpu.memory_space<hbm>>
    tpu.enqueue_dma source(%dma_start3A_278 : memref<240x256xf32, #tpu.memory_space<hbm>>) target(%arg4 : memref<240x256xf32, #tpu.memory_space<vmem>>) target_semaphore(%arg6 : memref<!tpu.dma_semaphore, #tpu.memory_space<semaphore_mem>>)
    %dma_wait3A_279 = arith.constant 0 : i32
    %dma_wait3A_280 = tpu.memref_slice %arg2[%mul3A_250, %dma_wait3A_279] : memref<100000x256xf32, #tpu.memory_space<hbm>> -> memref<240x256xf32, #tpu.memory_space<hbm>>
    %dma_wait3A_281 = arith.constant 0 : i32
    %dma_wait3A_282 = tpu.memref_slice %arg2[%mul3A_250, %dma_wait3A_281] : memref<100000x256xf32, #tpu.memory_space<hbm>> -> memref<240x256xf32, #tpu.memory_space<hbm>>
    tpu.wait_dma2 semaphore(%arg7 : memref<!tpu.dma_semaphore, #tpu.memory_space<semaphore_mem>>) src(%dma_wait3A_282 : memref<240x256xf32, #tpu.memory_space<hbm>>) dst(%arg5 : memref<240x256xf32, #tpu.memory_space<vmem>>)
    %add3A_283 = arith.constant 352 : i32
    %add3A_284 = arith.addi %add3A, %add3A_283 : i32
    %mul3A_285 = arith.constant 240 : i32
    %mul3A_286 = arith.muli %add3A_284, %mul3A_285 : i32
    %dma_start3A_287 = arith.constant 0 : i32
    %dma_start3A_288 = tpu.memref_slice %arg3[%mul3A_286, %dma_start3A_287] : memref<100000x256xf32, #tpu.memory_space<hbm>> -> memref<240x256xf32, #tpu.memory_space<hbm>>
    %dma_start3A_289 = arith.constant 0 : i32
    %dma_start3A_290 = tpu.memref_slice %arg3[%mul3A_286, %dma_start3A_289] : memref<100000x256xf32, #tpu.memory_space<hbm>> -> memref<240x256xf32, #tpu.memory_space<hbm>>
    tpu.enqueue_dma source(%arg5 : memref<240x256xf32, #tpu.memory_space<vmem>>) target(%dma_start3A_290 : memref<240x256xf32, #tpu.memory_space<hbm>>) target_semaphore(%arg9 : memref<!tpu.dma_semaphore, #tpu.memory_space<semaphore_mem>>)
    %dma_wait3A_291 = arith.constant 0 : i32
    %dma_wait3A_292 = tpu.memref_slice %arg2[%mul3A_274, %dma_wait3A_291] : memref<100000x256xf32, #tpu.memory_space<hbm>> -> memref<240x256xf32, #tpu.memory_space<hbm>>
    %dma_wait3A_293 = arith.constant 0 : i32
    %dma_wait3A_294 = tpu.memref_slice %arg2[%mul3A_274, %dma_wait3A_293] : memref<100000x256xf32, #tpu.memory_space<hbm>> -> memref<240x256xf32, #tpu.memory_space<hbm>>
    tpu.wait_dma2 semaphore(%arg6 : memref<!tpu.dma_semaphore, #tpu.memory_space<semaphore_mem>>) src(%dma_wait3A_294 : memref<240x256xf32, #tpu.memory_space<hbm>>) dst(%arg4 : memref<240x256xf32, #tpu.memory_space<vmem>>)
    %add3A_295 = arith.constant 384 : i32
    %add3A_296 = arith.addi %add3A, %add3A_295 : i32
    %mul3A_297 = arith.constant 240 : i32
    %mul3A_298 = arith.muli %add3A_296, %mul3A_297 : i32
    %dma_start3A_299 = arith.constant 0 : i32
    %dma_start3A_300 = tpu.memref_slice %arg3[%mul3A_298, %dma_start3A_299] : memref<100000x256xf32, #tpu.memory_space<hbm>> -> memref<240x256xf32, #tpu.memory_space<hbm>>
    %dma_start3A_301 = arith.constant 0 : i32
    %dma_start3A_302 = tpu.memref_slice %arg3[%mul3A_298, %dma_start3A_301] : memref<100000x256xf32, #tpu.memory_space<hbm>> -> memref<240x256xf32, #tpu.memory_space<hbm>>
    tpu.enqueue_dma source(%arg4 : memref<240x256xf32, #tpu.memory_space<vmem>>) target(%dma_start3A_302 : memref<240x256xf32, #tpu.memory_space<hbm>>) target_semaphore(%arg8 : memref<!tpu.dma_semaphore, #tpu.memory_space<semaphore_mem>>)
    %sub3A = arith.constant 14 : i32
    %sub3A_303 = arith.subi %arg1, %sub3A : i32
    %mul3A_304 = arith.constant 2 : i32
    %mul3A_305 = arith.muli %sub3A_303, %mul3A_304 : i32
    %add3A_306 = arith.addi %mul3A_305, %arg0 : i32
    %ge3A = arith.constant 14 : i32
    %ge3A_307 = arith.cmpi sge, %arg1, %ge3A : i32
    %lt3A = arith.constant 4 : i32
    %lt3A_308 = arith.cmpi slt, %add3A_306, %lt3A : i32
    %and3A = arith.andi %ge3A_307, %lt3A_308 : i1
    %dma_wait3A_309 = arith.constant 0 : i32
    %dma_wait3A_310 = tpu.memref_slice %arg3[%mul3A_286, %dma_wait3A_309] : memref<100000x256xf32, #tpu.memory_space<hbm>> -> memref<240x256xf32, #tpu.memory_space<hbm>>
    %dma_wait3A_311 = arith.constant 0 : i32
    %dma_wait3A_312 = tpu.memref_slice %arg3[%mul3A_286, %dma_wait3A_311] : memref<100000x256xf32, #tpu.memory_space<hbm>> -> memref<240x256xf32, #tpu.memory_space<hbm>>
    tpu.wait_dma2 semaphore(%arg9 : memref<!tpu.dma_semaphore, #tpu.memory_space<semaphore_mem>>) src(%arg5 : memref<240x256xf32, #tpu.memory_space<vmem>>) dst(%dma_wait3A_312 : memref<240x256xf32, #tpu.memory_space<hbm>>)
    %convert_element_type3A = arith.extui %and3A : i1 to i32
    %cond3A = arith.constant 0 : i32
    %cond3A_313 = arith.cmpi ne, %convert_element_type3A, %cond3A : i32
    scf.if %cond3A_313 {
      %mul3A_318 = arith.constant 40 : i32
      %mul3A_319 = arith.muli %add3A_306, %mul3A_318 : i32
      %add3A_320 = arith.constant 99840 : i32
      %add3A_321 = arith.addi %add3A_320, %mul3A_319 : i32
      %dma_start3A_322 = arith.constant 0 : i32
      %dma_start3A_323 = arith.constant 0 : i32
      %dma_start3A_324 = tpu.memref_slice %arg5[%dma_start3A_322, %dma_start3A_323] : memref<240x256xf32, #tpu.memory_space<vmem>> -> memref<40x256xf32, #tpu.memory_space<vmem>>
      %dma_start3A_325 = arith.constant 0 : i32
      %dma_start3A_326 = tpu.memref_slice %arg2[%add3A_321, %dma_start3A_325] : memref<100000x256xf32, #tpu.memory_space<hbm>> -> memref<40x256xf32, #tpu.memory_space<hbm>>
      %dma_start3A_327 = arith.constant 0 : i32
      %dma_start3A_328 = arith.constant 0 : i32
      %dma_start3A_329 = tpu.memref_slice %arg5[%dma_start3A_327, %dma_start3A_328] : memref<240x256xf32, #tpu.memory_space<vmem>> -> memref<40x256xf32, #tpu.memory_space<vmem>>
      %dma_start3A_330 = arith.constant 0 : i32
      %dma_start3A_331 = tpu.memref_slice %arg2[%add3A_321, %dma_start3A_330] : memref<100000x256xf32, #tpu.memory_space<hbm>> -> memref<40x256xf32, #tpu.memory_space<hbm>>
      tpu.enqueue_dma source(%dma_start3A_331 : memref<40x256xf32, #tpu.memory_space<hbm>>) target(%dma_start3A_329 : memref<40x256xf32, #tpu.memory_space<vmem>>) target_semaphore(%arg7 : memref<!tpu.dma_semaphore, #tpu.memory_space<semaphore_mem>>)
      %dma_wait3A_332 = arith.constant 0 : i32
      %dma_wait3A_333 = arith.constant 0 : i32
      %dma_wait3A_334 = tpu.memref_slice %arg5[%dma_wait3A_332, %dma_wait3A_333] : memref<240x256xf32, #tpu.memory_space<vmem>> -> memref<40x256xf32, #tpu.memory_space<vmem>>
      %dma_wait3A_335 = arith.constant 0 : i32
      %dma_wait3A_336 = tpu.memref_slice %arg2[%add3A_321, %dma_wait3A_335] : memref<100000x256xf32, #tpu.memory_space<hbm>> -> memref<40x256xf32, #tpu.memory_space<hbm>>
      %dma_wait3A_337 = arith.constant 0 : i32
      %dma_wait3A_338 = arith.constant 0 : i32
      %dma_wait3A_339 = tpu.memref_slice %arg5[%dma_wait3A_337, %dma_wait3A_338] : memref<240x256xf32, #tpu.memory_space<vmem>> -> memref<40x256xf32, #tpu.memory_space<vmem>>
      %dma_wait3A_340 = arith.constant 0 : i32
      %dma_wait3A_341 = tpu.memref_slice %arg2[%add3A_321, %dma_wait3A_340] : memref<100000x256xf32, #tpu.memory_space<hbm>> -> memref<40x256xf32, #tpu.memory_space<hbm>>
      tpu.wait_dma2 semaphore(%arg7 : memref<!tpu.dma_semaphore, #tpu.memory_space<semaphore_mem>>) src(%dma_wait3A_341 : memref<40x256xf32, #tpu.memory_space<hbm>>) dst(%dma_wait3A_339 : memref<40x256xf32, #tpu.memory_space<vmem>>)
      %dma_start3A_342 = arith.constant 0 : i32
      %dma_start3A_343 = arith.constant 0 : i32
      %dma_start3A_344 = tpu.memref_slice %arg5[%dma_start3A_342, %dma_start3A_343] : memref<240x256xf32, #tpu.memory_space<vmem>> -> memref<40x256xf32, #tpu.memory_space<vmem>>
      %dma_start3A_345 = arith.constant 0 : i32
      %dma_start3A_346 = tpu.memref_slice %arg3[%add3A_321, %dma_start3A_345] : memref<100000x256xf32, #tpu.memory_space<hbm>> -> memref<40x256xf32, #tpu.memory_space<hbm>>
      %dma_start3A_347 = arith.constant 0 : i32
      %dma_start3A_348 = tpu.memref_slice %arg3[%add3A_321, %dma_start3A_347] : memref<100000x256xf32, #tpu.memory_space<hbm>> -> memref<40x256xf32, #tpu.memory_space<hbm>>
      %dma_start3A_349 = arith.constant 0 : i32
      %dma_start3A_350 = arith.constant 0 : i32
      %dma_start3A_351 = tpu.memref_slice %arg5[%dma_start3A_349, %dma_start3A_350] : memref<240x256xf32, #tpu.memory_space<vmem>> -> memref<40x256xf32, #tpu.memory_space<vmem>>
      tpu.enqueue_dma source(%dma_start3A_351 : memref<40x256xf32, #tpu.memory_space<vmem>>) target(%dma_start3A_348 : memref<40x256xf32, #tpu.memory_space<hbm>>) target_semaphore(%arg9 : memref<!tpu.dma_semaphore, #tpu.memory_space<semaphore_mem>>)
      %dma_wait3A_352 = arith.constant 0 : i32
      %dma_wait3A_353 = arith.constant 0 : i32
      %dma_wait3A_354 = tpu.memref_slice %arg5[%dma_wait3A_352, %dma_wait3A_353] : memref<240x256xf32, #tpu.memory_space<vmem>> -> memref<40x256xf32, #tpu.memory_space<vmem>>
      %dma_wait3A_355 = arith.constant 0 : i32
      %dma_wait3A_356 = tpu.memref_slice %arg3[%add3A_321, %dma_wait3A_355] : memref<100000x256xf32, #tpu.memory_space<hbm>> -> memref<40x256xf32, #tpu.memory_space<hbm>>
      %dma_wait3A_357 = arith.constant 0 : i32
      %dma_wait3A_358 = tpu.memref_slice %arg3[%add3A_321, %dma_wait3A_357] : memref<100000x256xf32, #tpu.memory_space<hbm>> -> memref<40x256xf32, #tpu.memory_space<hbm>>
      %dma_wait3A_359 = arith.constant 0 : i32
      %dma_wait3A_360 = arith.constant 0 : i32
      %dma_wait3A_361 = tpu.memref_slice %arg5[%dma_wait3A_359, %dma_wait3A_360] : memref<240x256xf32, #tpu.memory_space<vmem>> -> memref<40x256xf32, #tpu.memory_space<vmem>>
      tpu.wait_dma2 semaphore(%arg9 : memref<!tpu.dma_semaphore, #tpu.memory_space<semaphore_mem>>) src(%dma_wait3A_361 : memref<40x256xf32, #tpu.memory_space<vmem>>) dst(%dma_wait3A_358 : memref<40x256xf32, #tpu.memory_space<hbm>>)
    } else {
    }
    %dma_wait3A_314 = arith.constant 0 : i32
    %dma_wait3A_315 = tpu.memref_slice %arg3[%mul3A_298, %dma_wait3A_314] : memref<100000x256xf32, #tpu.memory_space<hbm>> -> memref<240x256xf32, #tpu.memory_space<hbm>>
    %dma_wait3A_316 = arith.constant 0 : i32
    %dma_wait3A_317 = tpu.memref_slice %arg3[%mul3A_298, %dma_wait3A_316] : memref<100000x256xf32, #tpu.memory_space<hbm>> -> memref<240x256xf32, #tpu.memory_space<hbm>>
    tpu.wait_dma2 semaphore(%arg8 : memref<!tpu.dma_semaphore, #tpu.memory_space<semaphore_mem>>) src(%arg4 : memref<240x256xf32, #tpu.memory_space<vmem>>) dst(%dma_wait3A_317 : memref<240x256xf32, #tpu.memory_space<hbm>>)
    return
  }
}

</mosaic_0001>

<sc_bundles>
// kernel: kernel.3.cloned.1.call-start
scs
__scs_entry_jumppad:
0x0: {  	(pc) =	sbr.rel $0x88, $3  }
0x1: {  	(tag) =	ssettag $0x0;
	lr =	simm.s32 $0x1  }
0x2: {  	[smem:$0x3FA0] =	sst lr;
	_ =	strace $0xD0000000  }
0x3: {  	_ = 	snop  }
0x4: {  	_ = 	snop  }
0x5: {  	_ = 	snop  }
0x6: {  	_ = 	snop  }
0x7: {  	_ = 	snop  }
__scs_overlays_trampoline_lowered:
0x8: {  	[smem:$0x3FAF] =	sst s0  }
0x9: {  	[smem:$0x3FB0] =	sst s1  }
0xa: {  	[smem:$0x3FB1] =	sst s2  }
0xb: {  	[smem:$0x3FB2] =	sst s3  }
0xc: {  	[smem:$0x3FB3] =	sst s4  }
0xd: {  	[smem:$0x3FB4] =	sst s5  }
0xe: {  	[smem:$0x3FB5] =	sst s6  }
0xf: {  	[smem:$0x3FB6] =	sst s7  }
0x10: {  	[smem:$0x3FB7] =	sst s8  }
0x11: {  	[smem:$0x3FB8] =	sst s9;
	s0 =	simm.s32 @!p0 $0x0  }
0x12: {  	s1 =	sld [smem:$0x3F9E];
	s0 =	simm.s32 @p0 $0x1  }
0x13: {  	[smem:$0x3FB9] =	sst s0;
	s0 =	simm.s32 @!p1 $0x0  }
0x14: {  	s2 =	sld [smem:$0x3F9D];
	s0 =	simm.s32 @p1 $0x1  }
0x15: {  	[smem:$0x3FBA] =	sst s0;
	s0 =	simm.s32 @!p2 $0x0  }
0x16: {  	s3 =	sld [smem:$0x3FDB];
	s0 =	simm.s32 @p2 $0x1  }
0x17: {  	s4 =	simm.s32 $0x1BF5;
	[smem:$0x3FBC] =	sst s0  }
0x18: {  	s0 =	sld [smem:$0x3F9F];
	_ =	swait.ge [sflag:s4], $0x0  }
0x19: {  	s7 =	sld [smem:$0x3FA0]  }
0x1a: {  	s8 =	sadd.s32 $0xFFFFE003, lr  }
0x1b: {  	s9 =	sadd.s32 $0xFFFFFEF7, lr;
	s5 =	simm.s32 $0xFFFFFFFF;
	p2 =	slt.u32 s8, $0xFFFFF086  }
0x1c: {  	p1 =	slt.u32 s9, $0xF7A;
	s5 =	simm.s32 @!p2 $0x0  }
0x1d: {  	s5 =	simm.s32 @p1 $0x1;
	p0 =	seq.s32 s7, s2  }
0x1e: {  	s7 =	smul.u32 @!p0 $0xF7A, s2;
	p2 =	seq.s32 @!p0 s5, $0x0  }
0x1f: {  	s9 =	smul.u32 $0xF7A, s1;
	s8 =	simm.s32 @!p0 $0x1BF5;
	p2 =	por !p2, p0  }
0x20: {  	[sflag:s8] =	ssyncset.s32 @!p0 $0xFFFFF086;
	s6 =	sadd.s32 @!p0 s3, s7;
	s7 =	simm.s32 @!p0 $0x108  }
0x21: {  	s3 =	sadd.s32 s3, s9;
	s6 =	sadd.s32 @!p0 $0x88, s6;
	s7 =	simm.s32 @p2 $0x1082  }
0x22: {  	[simem:s7], [sflag:s8] =	dma.local @!p0 [hbm:s6], $0xF7A  }
0x23: {  	s9 =	sor.u32 $0xD0000000, s2;
	s6 =	simm.s32 $0x108;
	_ =	swait.ge @!p0 [sflag:s8], $0x0  }
0x24: {  	s3 =	sadd.s32 $0x88, s3;
	s6 =	simm.s32 @!p1 $0x1082;
	[sflag:s4] =	ssyncset.s32 $0xFFFFF086  }
0x25: {  	[simem:s6], [sflag:s4] =	dma.local [hbm:s3], $0xF7A  }
0x26: {  	[smem:$0x3FA0] =	sst s1;
	(tag) =	ssettag s2;
	_ =	strace s9  }
0x27: {  	s1 =	sld [smem:$0x3FB0]  }
0x28: {  	s2 =	sld [smem:$0x3FB1]  }
0x29: {  	s4 =	sld [smem:$0x3FB3]  }
0x2a: {  	p0 =	seq.s32 s5, $0x0;
	s5 =	sld [smem:$0x3FB4]  }
0x2b: {  	s6 =	sld [smem:$0x3FB5]  }
0x2c: {  	s7 =	sld [smem:$0x3FB6]  }
0x2d: {  	s3 =	simm.s32 $0x108;
	s8 =	sld [smem:$0x3FB7]  }
0x2e: {  	s3 =	simm.s32 @!p0 $0x1082;
	s9 =	sld [smem:$0x3FB8]  }
0x2f: {  	lr =	sadd.s32 s0, s3;
	s0 =	sld [smem:$0x3FAF]  }
0x30: {  	s3 =	sld [smem:$0x3FB2]  }
0x31: {  	[smem:$0x3FBB] =	sst s10  }
0x32: {  	s10 =	sld [smem:$0x3FB9];
	_ =	sdelay $0x3  }
0x33: {  	p0 =	seq.s32 s10, $0x1;
	s10 =	sld [smem:$0x3FBB];
	_ =	sdelay $0x3  }
0x34: {  	[smem:$0x3FBB] =	sst s10  }
0x35: {  	s10 =	sld [smem:$0x3FBA];
	_ =	sdelay $0x3  }
0x36: {  	p1 =	seq.s32 s10, $0x1;
	s10 =	sld [smem:$0x3FBB];
	_ =	sdelay $0x3  }
0x37: {  	[smem:$0x3FBB] =	sst s10  }
0x38: {  	s10 =	sld [smem:$0x3FBC]  }
0x39: {  	_ = 	snop;
	(pc) =	sbr.ind lr, $3  }
0x3a: {  	_ = 	snop  }
0x3b: {  	_ = 	snop  }
0x3c: {  	p2 =	seq.s32 s10, $0x1;
	s10 =	sld [smem:$0x3FBB]  }
0x3d: {  	_ =	shalt  }
0x3e: {  	_ =	shalt  }
0x3f: {  	_ =	shalt  }
0x40: {  	_ =	shalt  }
0x41: {  	_ =	shalt  }
0x42: {  	_ =	shalt  }
0x43: {  	_ =	shalt  }
0x44: {  	_ =	shalt  }
0x45: {  	_ =	shalt  }
0x46: {  	_ =	shalt  }
0x47: {  	_ =	shalt  }
0x48: {  	_ =	shalt  }
0x49: {  	_ =	shalt  }
0x4a: {  	_ =	shalt  }
0x4b: {  	_ =	shalt  }
0x4c: {  	_ =	shalt  }
0x4d: {  	_ =	shalt  }
0x4e: {  	_ =	shalt  }
0x4f: {  	_ =	shalt  }
0x50: {  	_ =	shalt  }
0x51: {  	_ =	shalt  }
0x52: {  	_ =	shalt  }
0x53: {  	_ =	shalt  }
0x54: {  	_ =	shalt  }
0x55: {  	_ =	shalt  }
0x56: {  	_ =	shalt  }
0x57: {  	_ =	shalt  }
0x58: {  	_ =	shalt  }
0x59: {  	_ =	shalt  }
0x5a: {  	_ =	shalt  }
0x5b: {  	_ =	shalt  }
0x5c: {  	_ =	shalt  }
0x5d: {  	_ =	shalt  }
0x5e: {  	_ =	shalt  }
0x5f: {  	_ =	shalt  }
0x60: {  	_ =	shalt  }
0x61: {  	_ =	shalt  }
0x62: {  	_ =	shalt  }
0x63: {  	_ =	shalt  }
0x64: {  	_ =	shalt  }
0x65: {  	_ =	shalt  }
0x66: {  	_ =	shalt  }
0x67: {  	_ =	shalt  }
0x68: {  	_ =	shalt  }
0x69: {  	_ =	shalt  }
0x6a: {  	_ =	shalt  }
0x6b: {  	_ =	shalt  }
0x6c: {  	_ =	shalt  }
0x6d: {  	_ =	shalt  }
0x6e: {  	_ =	shalt  }
0x6f: {  	_ =	shalt  }
0x70: {  	_ =	shalt  }
0x71: {  	_ =	shalt  }
0x72: {  	_ =	shalt  }
0x73: {  	_ =	shalt  }
0x74: {  	_ =	shalt  }
0x75: {  	_ =	shalt  }
0x76: {  	_ =	shalt  }
0x77: {  	_ =	shalt  }
0x78: {  	_ =	shalt  }
0x79: {  	_ =	shalt  }
0x7a: {  	_ =	shalt  }
0x7b: {  	_ =	shalt  }
0x7c: {  	_ =	shalt  }
0x7d: {  	_ =	shalt  }
0x7e: {  	_ =	shalt  }
0x7f: {  	_ =	shalt  }
0x80: {  	_ =	shalt  }
0x81: {  	_ =	shalt  }
0x82: {  	_ =	shalt  }
0x83: {  	_ =	shalt  }
0x84: {  	_ =	shalt  }
0x85: {  	_ =	shalt  }
0x86: {  	_ =	shalt  }
0x87: {  	_ =	shalt  }
.Lfunc_end0:
.L_simem_size_0:
called_computation_lowered:
.L_overlay_start_0:
0x88: {  	s2 =	sld [smem:$0x3FD9]  }
0x89: {  	s3 =	sld [smem:$0x3FFE];
	_ =	sdelay $0x1  }
0x8a: {  	s1 =	srdreg.scid  }
0x8b: {  	s0 =	sand.u32 $0x1, s1  }
0x8c: {  	s18 =	sshll.u32 s0, $0xA;
	s2 =	sadd.s32 s3, s2  }
0x8d: {  	s2 =	sadd.s32 s2, s18  }
0x8e: {  	[smem:$0x3FC7] =	sst s2  }
0x8f: {  	_ = 	snop  }
0x90: {  	s2 =	sld [smem:$0x3FC9]  }
0x91: {  	s19 =	sld [smem:$0x3FD0];
	(tm) =	ssettm $0x1  }
0x92: {  	s4 =	sld [smem:$0x3FFB];
	_ =	sdelay $0x3  }
0x93: {  	_ =	strace s4  }
0x94: {  	s4 =	sld [smem:$0x3FFC];
	_ =	sdelay $0x3  }
0x95: {  	_ =	strace s4  }
0x96: {  	s4 =	sld [smem:$0x3FFD];
	_ =	sdelay $0x3  }
0x97: {  	_ =	strace s4  }
0x98: {  	_ =	strace $0x8FFFFFFF  }
0x99: {  	s20 =	sld [smem:$0x3FDB];
	_ =	sdelay $0x1  }
0x9a: {  	s5 =	simm.s32 $_scs_section_size  }
0x9b: {  	s6 =	simm.s32 $_size__tile_overlayer_lowered;
	s7 =	simm.s32 $_tile_overlayer_lowered  }
0x9c: {  	s23 =	simm.s32 $0x1BFF;
	s22 =	sshll.u32 s7, $0x1;
	s4 =	sadd.s32 s5, s20  }
0x9d: {  	s8 =	simm.s32 $0x0;
	s21 =	sshll.u32 s6, $0x1;
	s6 =	sadd.s32 s22, s4  }
0x9e: {  	[timem:s8], [sflag:s23] =	dma.local [hbm:s6], s21  }
0x9f: {  	_ =	swait.ge [sflag:s23], s21  }
0xa0: {  	s5 =	ssub.s32 $0x0, s21;
	[sflag:s23] =	ssyncset.done $0x0  }
0xa1: {  	[sflag:s23] =	ssyncadd.s32 s5;
	_ =	sdelay $0x1  }
0xa2: {  	s24 =	simm.s32 $0x1B8B  }
0xa3: {  	_ =	swait.ge [sflag:s24], $0x1  }
0xa4: {  	[sflag:s24] =	ssyncset.done $0x0  }
0xa5: {  	s25 =	simm.s32 $0x1B8E;
	[sflag:s24] =	ssyncadd.s32 $0xFFFFFFFF  }
0xa6: {  	s26 =	simm.s32 $execute0_lowered;
	[smem:$0x3FD2] =	sst s25  }
0xa7: {  	s5 =	sshll.u32 s26, $0x1;
	_ =	strace $0x80000046;
	[dreg:$0x1] =	wrdreg $0xFFFFFFFF  }
0xa8: {  	s28 =	simm.s32 $_size_execute0_lowered;
	s4 =	sadd.s32 s4, s5;
	[dreg:$0x0] =	wrdreg $0x0  }
0xa9: {  	s5 =	sshll.u32 s28, $0x1;
	[dreg:$0x2] =	wrdreg s4  }
0xaa: {  	[dreg:$0x3] =	wrdreg s5  }
0xab: {  	[dreg:$0x4] =	wrdreg $0xC0  }
0xac: {  	_ =	task [dreg:s8], $0x5FFFF  }
0xad: {  	[dreg:$0x1] =	wrdreg $0xFFFFFFFF  }
0xae: {  	[dreg:$0x0] =	wrdreg $0x60  }
0xaf: {  	[dreg:$0x2] =	wrdreg s2  }
0xb0: {  	[dreg:$0x3] =	wrdreg s19  }
0xb1: {  	[dreg:$0x4] =	wrdreg $0x9  }
0xb2: {  	_ =	task.clear_ibuf [dreg:s8], $0x5FFFF;
	_ =	strace $0x90000046  }
0xb3: {  	s29 =	simm.s32 $0x9;
	_ =	strace $0x80000048  }
0xb4: {  	_ =	swait.ge [sflag:s29], $0x1  }
0xb5: {  	[sflag:s29] =	ssyncadd.s32 $0xFFFFFFFF  }
0xb6: {  	_ =	strace $0x90000048  }
0xb7: {  	_ =	sfence  }
0xb8: {  	s30 =	sld [smem:$0x0];
	_ =	sdelay $0x2  }
0xb9: {  	s31 =	sshll.u32 s1, $0xD;
	s1 =	sshrl.u32 s1, $0x2  }
0xba: {  	s3 =	sand.u32 $0x4000, s31;
	s1 =	sadd.s32 s1, s30  }
0xbb: {  	s0 =	sor.u32 s3, s0;
	s1 =	sshll.u32 s1, $0x11  }
0xbc: {  	s0 =	sor.u32 s1, s0  }
0xbd: {  	s0 =	sadd.s32 $0x8F2B, s0  }
0xbe: {  	[sflag:s0] =	ssyncadd.remote.s32 $0x1  }
0xbf: {  	_ =	sfence.sel $0xFFFF  }
0xc0: {  	[dreg:$0x0] =	wrdreg $0xFFFFFFFF;
	(pc) =	sbr.abs _section_cstart, $3  }
0xc1: {  	[dreg:$0x1] =	wrdreg $0xFFFFFFFF  }
0xc2: {  	_ =	task.clear_ibuf [dreg:s8], $0x2FFFF;
	_ =	strace $0x9FFFFFFF  }
0xc3: {  	(tm) =	ssettm $0x7FFFFFFF  }
tec
execute0_lowered:
.L_overlay_start_1:
0x0: {  	(tag) =	ssettag $0x1  }
0x1: {  	s0 =	srdreg.scid  }
0x2: {  	s1 =	sand.u32 $0x1, s0  }
0x3: {  	s0 =	stileid.u32;
	s2 =	sshll.u32 s1, $0x4  }
0x4: {  	s3 =	sor.u32 s0, s2  }
0x5: {  	s4 =	smul.u32 $0xF000, s3  }
0x6: {  	s25 =	rddreg [dreg:$0x0];
	s2 =	simm.s32 $0x0;
	s3 =	smul.u32 $0x1E00, s3  }
0x7: {  	[smem:$0x7FF] =	sst s2  }
0x8: {  	s30 =	rddreg [dreg:$0x1];
	_ =	strace $0x80000047;
	s8 =	sadd.s32 s25, s3  }
0x9: {  	s22 =	sshrl.u32 s4, $0x3;
	s3 =	sadd.s32 s30, s3;
	[dreg:$0x3] =	wrdreg s8  }
0xa: {  	s5 =	sadd.s32 $0x3C000, s22;
	[dreg:$0x5] =	wrdreg s3  }
0xb: {  	s10 =	sadd.s32 $0x78000, s22;
	s9 =	sadd.s32 s25, s5;
	s17 =	rddreg [dreg:$0x3]  }
0xc: {  	s11 =	sadd.s32 s25, s10;
	[dreg:$0x4] =	wrdreg s9  }
0xd: {  	s13 =	sadd.s32 $0xB4000, s22;
	s12 =	sadd.s32 s30, s5;
	[dreg:$0x6] =	wrdreg s11  }
0xe: {  	s14 =	sadd.s32 s25, s13;
	[dreg:$0x7] =	wrdreg s12  }
0xf: {  	s15 =	sadd.s32 s30, s10;
	[dreg:$0x8] =	wrdreg s14  }
0x10: {  	s10 =	sadd.s32 $0xF0000, s22;
	s18 =	sadd.s32 s30, s13;
	[dreg:$0x9] =	wrdreg s15  }
0x11: {  	[tilespmem:s2], [sflag:$0x1] =	stream.linear.gather [hbm4b:s17+s2], $0xF000, $0x38;
	[tilespmem:$0x1E000] =	vst v63  }
0x12: {  	s16 =	sadd.s32 s25, s10;
	[dreg:$0xb] =	wrdreg s18  }
0x13: {  	[dreg:$0xa] =	wrdreg s16  }
0x14: {  	s4 =	simm.s32 $0x1;
	s3 =	simm.s32 $0xF000;
	s19 =	rddreg [dreg:$0x4]  }
0x15: {  	[tilespmem:s3], [sflag:$0x2] =	stream.linear.gather [hbm4b:s19+s2], $0xF000, $0x38;
	[tilespmem:$0x1E000] =	vst v63  }
0x16: {  	_ =	swait.ge [sflag:s4], $0xF000  }
0x17: {  	[sflag:s4] =	ssyncset.done $0x0  }
0x18: {  	s5 =	simm.s32 $0x3;
	s6 =	rddreg [dreg:$0x5];
	[sflag:s4] =	ssyncadd.s32 $0xFFFF1000  }
0x19: {  	[hbm4b:s6+s2] =	stream.linear.scatter [tilespmem:s2], [sflag:$0x3], $0xF000, $0x38;
	[tilespmem:$0x1E000] =	vst v63  }
0x1a: {  	_ =	swait.ge [sflag:s5], $0xF000  }
0x1b: {  	[sflag:s5] =	ssyncset.done $0x0  }
0x1c: {  	s6 =	simm.s32 $0x2;
	s7 =	rddreg [dreg:$0x6];
	[sflag:s5] =	ssyncadd.s32 $0xFFFF1000  }
0x1d: {  	[tilespmem:s2], [sflag:$0x1] =	stream.linear.gather [hbm4b:s7+s2], $0xF000, $0x38;
	[tilespmem:$0x1E000] =	vst v63  }
0x1e: {  	_ =	swait.ge [sflag:s6], $0xF000  }
0x1f: {  	[sflag:s6] =	ssyncset.done $0x0  }
0x20: {  	s7 =	simm.s32 $0x4;
	s8 =	rddreg [dreg:$0x7];
	[sflag:s6] =	ssyncadd.s32 $0xFFFF1000  }
0x21: {  	[hbm4b:s8+s2] =	stream.linear.scatter [tilespmem:s3], [sflag:$0x4], $0xF000, $0x38;
	[tilespmem:$0x1E000] =	vst v63  }
0x22: {  	_ =	swait.ge [sflag:s7], $0xF000  }
0x23: {  	[sflag:s7] =	ssyncset.done $0x0  }
0x24: {  	s20 =	rddreg [dreg:$0x8];
	[sflag:s7] =	ssyncadd.s32 $0xFFFF1000  }
0x25: {  	[tilespmem:s3], [sflag:$0x2] =	stream.linear.gather [hbm4b:s20+s2], $0xF000, $0x38;
	[tilespmem:$0x1E000] =	vst v63  }
0x26: {  	_ =	swait.ge [sflag:s4], $0xF000  }
0x27: {  	[sflag:s4] =	ssyncset.done $0x0  }
0x28: {  	s21 =	rddreg [dreg:$0x9];
	[sflag:s4] =	ssyncadd.s32 $0xFFFF1000  }
0x29: {  	[hbm4b:s21+s2] =	stream.linear.scatter [tilespmem:s2], [sflag:$0x3], $0xF000, $0x38;
	[tilespmem:$0x1E000] =	vst v63  }
0x2a: {  	_ =	swait.ge [sflag:s5], $0xF000  }
0x2b: {  	[sflag:s5] =	ssyncset.done $0x0  }
0x2c: {  	s23 =	rddreg [dreg:$0xa];
	[sflag:s5] =	ssyncadd.s32 $0xFFFF1000  }
0x2d: {  	[tilespmem:s2], [sflag:$0x1] =	stream.linear.gather [hbm4b:s23+s2], $0xF000, $0x38;
	[tilespmem:$0x1E000] =	vst v63  }
0x2e: {  	_ =	swait.ge [sflag:s6], $0xF000  }
0x2f: {  	[sflag:s6] =	ssyncset.done $0x0  }
0x30: {  	s24 =	rddreg [dreg:$0xb];
	[sflag:s6] =	ssyncadd.s32 $0xFFFF1000  }
0x31: {  	[hbm4b:s24+s2] =	stream.linear.scatter [tilespmem:s3], [sflag:$0x4], $0xF000, $0x38;
	[tilespmem:$0x1E000] =	vst v63  }
0x32: {  	s11 =	sadd.s32 $0x12C000, s22;
	_ =	swait.ge [sflag:s7], $0xF000  }
0x33: {  	s26 =	sadd.s32 s25, s11;
	[sflag:s7] =	ssyncset.done $0x0  }
0x34: {  	[dreg:$0xc] =	wrdreg s26;
	[sflag:s7] =	ssyncadd.s32 $0xFFFF1000  }
0x35: {  	[tilespmem:s3], [sflag:$0x2] =	stream.linear.gather [hbm4b:s26+s2], $0xF000, $0x38;
	[tilespmem:$0x1E000] =	vst v63  }
0x36: {  	_ =	swait.ge [sflag:s4], $0xF000  }
0x37: {  	[sflag:s4] =	ssyncset.done $0x0  }
0x38: {  	s8 =	sadd.s32 s30, s10;
	[sflag:s4] =	ssyncadd.s32 $0xFFFF1000  }
0x39: {  	[hbm4b:s8+s2] =	stream.linear.scatter [tilespmem:s2], [sflag:$0x3], $0xF000, $0x38;
	[tilespmem:$0x1E000] =	vst v63  }
0x3a: {  	_ =	swait.ge [sflag:s5], $0xF000  }
0x3b: {  	s13 =	sadd.s32 $0x168000, s22;
	[sflag:s5] =	ssyncset.done $0x0  }
0x3c: {  	s10 =	sadd.s32 s25, s13;
	[sflag:s5] =	ssyncadd.s32 $0xFFFF1000  }
0x3d: {  	[tilespmem:s2], [sflag:$0x1] =	stream.linear.gather [hbm4b:s10+s2], $0xF000, $0x38;
	[tilespmem:$0x1E000] =	vst v63  }
0x3e: {  	_ =	swait.ge [sflag:s6], $0xF000  }
0x3f: {  	[sflag:s6] =	ssyncset.done $0x0  }
0x40: {  	s11 =	sadd.s32 s30, s11;
	[sflag:s6] =	ssyncadd.s32 $0xFFFF1000  }
0x41: {  	[hbm4b:s11+s2] =	stream.linear.scatter [tilespmem:s3], [sflag:$0x4], $0xF000, $0x38;
	[tilespmem:$0x1E000] =	vst v63  }
0x42: {  	_ =	swait.ge [sflag:s7], $0xF000  }
0x43: {  	s15 =	sadd.s32 $0x1A4000, s22;
	[sflag:s7] =	ssyncset.done $0x0  }
0x44: {  	s12 =	sadd.s32 s25, s15;
	[sflag:s7] =	ssyncadd.s32 $0xFFFF1000  }
0x45: {  	[tilespmem:s3], [sflag:$0x2] =	stream.linear.gather [hbm4b:s12+s2], $0xF000, $0x38;
	[tilespmem:$0x1E000] =	vst v63  }
0x46: {  	_ =	swait.ge [sflag:s4], $0xF000  }
0x47: {  	[sflag:s4] =	ssyncset.done $0x0  }
0x48: {  	s13 =	sadd.s32 s30, s13;
	[sflag:s4] =	ssyncadd.s32 $0xFFFF1000  }
0x49: {  	[hbm4b:s13+s2] =	stream.linear.scatter [tilespmem:s2], [sflag:$0x3], $0xF000, $0x38;
	[tilespmem:$0x1E000] =	vst v63  }
0x4a: {  	_ =	swait.ge [sflag:s5], $0xF000  }
0x4b: {  	s17 =	sadd.s32 $0x1E0000, s22;
	[sflag:s5] =	ssyncset.done $0x0  }
0x4c: {  	s14 =	sadd.s32 s25, s17;
	[sflag:s5] =	ssyncadd.s32 $0xFFFF1000  }
0x4d: {  	[tilespmem:s2], [sflag:$0x1] =	stream.linear.gather [hbm4b:s14+s2], $0xF000, $0x38;
	[tilespmem:$0x1E000] =	vst v63  }
0x4e: {  	_ =	swait.ge [sflag:s6], $0xF000  }
0x4f: {  	[sflag:s6] =	ssyncset.done $0x0  }
0x50: {  	s15 =	sadd.s32 s30, s15;
	[sflag:s6] =	ssyncadd.s32 $0xFFFF1000  }
0x51: {  	[hbm4b:s15+s2] =	stream.linear.scatter [tilespmem:s3], [sflag:$0x4], $0xF000, $0x38;
	[tilespmem:$0x1E000] =	vst v63  }
0x52: {  	_ =	swait.ge [sflag:s7], $0xF000  }
0x53: {  	s19 =	sadd.s32 $0x21C000, s22;
	[sflag:s7] =	ssyncset.done $0x0  }
0x54: {  	s16 =	sadd.s32 s25, s19;
	[sflag:s7] =	ssyncadd.s32 $0xFFFF1000  }
0x55: {  	[tilespmem:s3], [sflag:$0x2] =	stream.linear.gather [hbm4b:s16+s2], $0xF000, $0x38;
	[tilespmem:$0x1E000] =	vst v63  }
0x56: {  	_ =	swait.ge [sflag:s4], $0xF000  }
0x57: {  	[sflag:s4] =	ssyncset.done $0x0  }
0x58: {  	s17 =	sadd.s32 s30, s17;
	[sflag:s4] =	ssyncadd.s32 $0xFFFF1000  }
0x59: {  	[hbm4b:s17+s2] =	stream.linear.scatter [tilespmem:s2], [sflag:$0x3], $0xF000, $0x38;
	[tilespmem:$0x1E000] =	vst v63  }
0x5a: {  	_ =	swait.ge [sflag:s5], $0xF000  }
0x5b: {  	s21 =	sadd.s32 $0x258000, s22;
	[sflag:s5] =	ssyncset.done $0x0  }
0x5c: {  	s18 =	sadd.s32 s25, s21;
	[sflag:s5] =	ssyncadd.s32 $0xFFFF1000  }
0x5d: {  	[tilespmem:s2], [sflag:$0x1] =	stream.linear.gather [hbm4b:s18+s2], $0xF000, $0x38;
	[tilespmem:$0x1E000] =	vst v63  }
0x5e: {  	_ =	swait.ge [sflag:s6], $0xF000  }
0x5f: {  	[sflag:s6] =	ssyncset.done $0x0  }
0x60: {  	s19 =	sadd.s32 s30, s19;
	[sflag:s6] =	ssyncadd.s32 $0xFFFF1000  }
0x61: {  	[hbm4b:s19+s2] =	stream.linear.scatter [tilespmem:s3], [sflag:$0x4], $0xF000, $0x38;
	[tilespmem:$0x1E000] =	vst v63  }
0x62: {  	_ =	swait.ge [sflag:s7], $0xF000  }
0x63: {  	s23 =	sadd.s32 $0x294000, s22;
	[sflag:s7] =	ssyncset.done $0x0  }
0x64: {  	s20 =	sadd.s32 s25, s23;
	[sflag:s7] =	ssyncadd.s32 $0xFFFF1000  }
0x65: {  	[tilespmem:s3], [sflag:$0x2] =	stream.linear.gather [hbm4b:s20+s2], $0xF000, $0x38;
	[tilespmem:$0x1E000] =	vst v63  }
0x66: {  	_ =	swait.ge [sflag:s4], $0xF000  }
0x67: {  	[sflag:s4] =	ssyncset.done $0x0  }
0x68: {  	s21 =	sadd.s32 s30, s21;
	[sflag:s4] =	ssyncadd.s32 $0xFFFF1000  }
0x69: {  	[hbm4b:s21+s2] =	stream.linear.scatter [tilespmem:s2], [sflag:$0x3], $0xF000, $0x38;
	[tilespmem:$0x1E000] =	vst v63  }
0x6a: {  	_ =	swait.ge [sflag:s5], $0xF000  }
0x6b: {  	s24 =	sadd.s32 $0x2D0000, s22;
	[sflag:s5] =	ssyncset.done $0x0  }
0x6c: {  	s22 =	sadd.s32 s25, s24;
	[sflag:s5] =	ssyncadd.s32 $0xFFFF1000  }
0x6d: {  	[tilespmem:s2], [sflag:$0x1] =	stream.linear.gather [hbm4b:s22+s2], $0xF000, $0x38;
	[tilespmem:$0x1E000] =	vst v63  }
0x6e: {  	_ =	swait.ge [sflag:s6], $0xF000  }
0x6f: {  	p0 =	slt.u32 s0, $0xE;
	[sflag:s6] =	ssyncset.done $0x0  }
0x70: {  	s28 =	simm.s32 @!p0 $0xF000;
	s23 =	sadd.s32 s30, s23;
	[sflag:s6] =	ssyncadd.s32 $0xFFFF1000  }
0x71: {  	[hbm4b:s23+s2] =	stream.linear.scatter [tilespmem:s3], [sflag:$0x4], $0xF000, $0x38;
	[tilespmem:$0x1E000] =	vst v63  }
0x72: {  	s29 =	simm.s32 @!p0 $0x2;
	s26 =	sshll.u32 s0, $0x1;
	_ =	swait.ge [sflag:s4], $0xF000  }
0x73: {  	s24 =	sadd.s32 s30, s24;
	s26 =	sor.u32 s1, s26;
	[sflag:s4] =	ssyncset.done $0x0  }
0x74: {  	s1 =	ssub.s32 $0x2, s1;
	s26 =	smul.u32 $0x2800, s26;
	[sflag:s4] =	ssyncadd.s32 $0xFFFF1000  }
0x75: {  	[hbm4b:s24+s2] =	stream.linear.scatter [tilespmem:s2], [sflag:$0x3], $0xF000, $0x38;
	[tilespmem:$0x1E000] =	vst v63  }
0x76: {  	s9 =	sshrl.u32 s1, $0x1;
	s26 =	sadd.s32 $0x181A000, s26;
	_ =	swait.ge [sflag:s7], $0xF000  }
0x77: {  	s0 =	ssub.s32 s1, s9;
	s31 =	sshrl.u32 s26, $0x3;
	[sflag:s7] =	ssyncset.done $0x0  }
0x78: {  	s26 =	simm.s32 @!p0 $0x0;
	s25 =	sadd.s32 s25, s31;
	[sflag:s7] =	ssyncadd.s32 $0xFFFF1000  }
0x79: {  	[tilespmem:s28], [sflag:$0x2] =	stream.linear.gather @!p0 [hbm4b:s25+s26], $0x2800, $0x38;
	[tilespmem:$0x1E000] =	vst v63  }
0x7a: {  	s0 =	smax.u32 s0, $0x1;
	_ =	swait.ge @!p0 [sflag:s29], $0x2800  }
0x7b: {  	s1 =	sadd.s32 $0xFFFFFFFF, s0;
	s30 =	sadd.s32 s30, s31;
	[sflag:s29] =	ssyncset.done @!p0 $0x0  }
0x7c: {  	s31 =	simm.s32 @!p0 $0x4;
	p1 =	sne.s32 s1, $0x0;
	[sflag:s29] =	ssyncadd.s32 @!p0 $0xFFFFD800  }
0x7d: {  	[hbm4b:s30+s26] =	stream.linear.scatter @!p0 [tilespmem:s28], [sflag:$0x4], $0x2800, $0x38;
	[tilespmem:$0x1E000] =	vst v63  }
.Ltmp0:
0x7e: {  	_ =	swait.ge @!p0 [sflag:s31], $0x2800;
	(pc) =	sbr.rel @!p1 .LBB2_3-.Ltmp0, $4  }
0x7f: {  	[sflag:s31] =	ssyncset.done @!p0 $0x0  }
0x80: {  	[sflag:s31] =	ssyncadd.s32 @!p0 $0xFFFFD800  }
0x81: {  	_ =	swait.ge [sflag:s5], $0xF000  }
0x82: {  	[sflag:s5] =	ssyncset.done $0x0  }
0x83: {  	s9 =	smov.u32 s8  }
.LBB2_2:
0x84: {  	s0 =	rddreg [dreg:$0x3];
	[sflag:s5] =	ssyncadd.s32 $0xFFFF1000  }
0x85: {  	[tilespmem:s2], [sflag:$0x1] =	stream.linear.gather [hbm4b:s0+s2], $0xF000, $0x38;
	[tilespmem:$0x1E000] =	vst v63  }
0x86: {  	s8 =	rddreg [dreg:$0x4]  }
0x87: {  	[tilespmem:s3], [sflag:$0x2] =	stream.linear.gather [hbm4b:s8+s2], $0xF000, $0x38;
	[tilespmem:$0x1E000] =	vst v63  }
0x88: {  	_ =	swait.ge [sflag:s4], $0xF000  }
0x89: {  	[sflag:s4] =	ssyncset.done $0x0  }
0x8a: {  	s8 =	rddreg [dreg:$0x5];
	[sflag:s4] =	ssyncadd.s32 $0xFFFF1000  }
0x8b: {  	[hbm4b:s8+s2] =	stream.linear.scatter [tilespmem:s2], [sflag:$0x3], $0xF000, $0x38;
	[tilespmem:$0x1E000] =	vst v63  }
0x8c: {  	_ =	swait.ge [sflag:s5], $0xF000  }
0x8d: {  	[sflag:s5] =	ssyncset.done $0x0  }
0x8e: {  	s8 =	rddreg [dreg:$0x6];
	[sflag:s5] =	ssyncadd.s32 $0xFFFF1000  }
0x8f: {  	[tilespmem:s2], [sflag:$0x1] =	stream.linear.gather [hbm4b:s8+s2], $0xF000, $0x38;
	[tilespmem:$0x1E000] =	vst v63  }
0x90: {  	_ =	swait.ge [sflag:s6], $0xF000  }
0x91: {  	[sflag:s6] =	ssyncset.done $0x0  }
0x92: {  	s8 =	rddreg [dreg:$0x7];
	[sflag:s6] =	ssyncadd.s32 $0xFFFF1000  }
0x93: {  	[hbm4b:s8+s2] =	stream.linear.scatter [tilespmem:s3], [sflag:$0x4], $0xF000, $0x38;
	[tilespmem:$0x1E000] =	vst v63  }
0x94: {  	_ =	swait.ge [sflag:s7], $0xF000  }
0x95: {  	[sflag:s7] =	ssyncset.done $0x0  }
0x96: {  	s8 =	rddreg [dreg:$0x8];
	[sflag:s7] =	ssyncadd.s32 $0xFFFF1000  }
0x97: {  	[tilespmem:s3], [sflag:$0x2] =	stream.linear.gather [hbm4b:s8+s2], $0xF000, $0x38;
	[tilespmem:$0x1E000] =	vst v63  }
0x98: {  	_ =	swait.ge [sflag:s4], $0xF000  }
0x99: {  	[sflag:s4] =	ssyncset.done $0x0  }
0x9a: {  	s8 =	rddreg [dreg:$0x9];
	[sflag:s4] =	ssyncadd.s32 $0xFFFF1000  }
0x9b: {  	[hbm4b:s8+s2] =	stream.linear.scatter [tilespmem:s2], [sflag:$0x3], $0xF000, $0x38;
	[tilespmem:$0x1E000] =	vst v63  }
0x9c: {  	_ =	swait.ge [sflag:s5], $0xF000  }
0x9d: {  	[sflag:s5] =	ssyncset.done $0x0  }
0x9e: {  	s8 =	rddreg [dreg:$0xa];
	[sflag:s5] =	ssyncadd.s32 $0xFFFF1000  }
0x9f: {  	[tilespmem:s2], [sflag:$0x1] =	stream.linear.gather [hbm4b:s8+s2], $0xF000, $0x38;
	[tilespmem:$0x1E000] =	vst v63  }
0xa0: {  	_ =	swait.ge [sflag:s6], $0xF000  }
0xa1: {  	[sflag:s6] =	ssyncset.done $0x0  }
0xa2: {  	s8 =	rddreg [dreg:$0xb];
	[sflag:s6] =	ssyncadd.s32 $0xFFFF1000  }
0xa3: {  	[hbm4b:s8+s2] =	stream.linear.scatter [tilespmem:s3], [sflag:$0x4], $0xF000, $0x38;
	[tilespmem:$0x1E000] =	vst v63  }
0xa4: {  	_ =	swait.ge [sflag:s7], $0xF000  }
0xa5: {  	[sflag:s7] =	ssyncset.done $0x0  }
0xa6: {  	s8 =	rddreg [dreg:$0xc];
	[sflag:s7] =	ssyncadd.s32 $0xFFFF1000  }
0xa7: {  	[tilespmem:s3], [sflag:$0x2] =	stream.linear.gather [hbm4b:s8+s2], $0xF000, $0x38;
	[tilespmem:$0x1E000] =	vst v63  }
0xa8: {  	_ =	swait.ge [sflag:s4], $0xF000  }
0xa9: {  	[sflag:s4] =	ssyncset.done $0x0  }
0xaa: {  	[sflag:s4] =	ssyncadd.s32 $0xFFFF1000  }
0xab: {  	[hbm4b:s9+s2] =	stream.linear.scatter [tilespmem:s2], [sflag:$0x3], $0xF000, $0x38;
	[tilespmem:$0x1E000] =	vst v63  }
0xac: {  	_ =	swait.ge [sflag:s5], $0xF000  }
0xad: {  	[sflag:s5] =	ssyncset.done $0x0  }
0xae: {  	[sflag:s5] =	ssyncadd.s32 $0xFFFF1000  }
0xaf: {  	[tilespmem:s2], [sflag:$0x1] =	stream.linear.gather [hbm4b:s10+s2], $0xF000, $0x38;
	[tilespmem:$0x1E000] =	vst v63  }
0xb0: {  	_ =	swait.ge [sflag:s6], $0xF000  }
0xb1: {  	[sflag:s6] =	ssyncset.done $0x0  }
0xb2: {  	[sflag:s6] =	ssyncadd.s32 $0xFFFF1000  }
0xb3: {  	[hbm4b:s11+s2] =	stream.linear.scatter [tilespmem:s3], [sflag:$0x4], $0xF000, $0x38;
	[tilespmem:$0x1E000] =	vst v63  }
0xb4: {  	_ =	swait.ge [sflag:s7], $0xF000  }
0xb5: {  	[sflag:s7] =	ssyncset.done $0x0  }
0xb6: {  	[sflag:s7] =	ssyncadd.s32 $0xFFFF1000  }
0xb7: {  	[tilespmem:s3], [sflag:$0x2] =	stream.linear.gather [hbm4b:s12+s2], $0xF000, $0x38;
	[tilespmem:$0x1E000] =	vst v63  }
0xb8: {  	_ =	swait.ge [sflag:s4], $0xF000  }
0xb9: {  	[sflag:s4] =	ssyncset.done $0x0  }
0xba: {  	[sflag:s4] =	ssyncadd.s32 $0xFFFF1000  }
0xbb: {  	[hbm4b:s13+s2] =	stream.linear.scatter [tilespmem:s2], [sflag:$0x3], $0xF000, $0x38;
	[tilespmem:$0x1E000] =	vst v63  }
0xbc: {  	_ =	swait.ge [sflag:s5], $0xF000  }
0xbd: {  	[sflag:s5] =	ssyncset.done $0x0  }
0xbe: {  	[sflag:s5] =	ssyncadd.s32 $0xFFFF1000  }
0xbf: {  	[tilespmem:s2], [sflag:$0x1] =	stream.linear.gather [hbm4b:s14+s2], $0xF000, $0x38;
	[tilespmem:$0x1E000] =	vst v63  }
0xc0: {  	_ =	swait.ge [sflag:s6], $0xF000  }
0xc1: {  	[sflag:s6] =	ssyncset.done $0x0  }
0xc2: {  	[sflag:s6] =	ssyncadd.s32 $0xFFFF1000  }
0xc3: {  	[hbm4b:s15+s2] =	stream.linear.scatter [tilespmem:s3], [sflag:$0x4], $0xF000, $0x38;
	[tilespmem:$0x1E000] =	vst v63  }
0xc4: {  	_ =	swait.ge [sflag:s7], $0xF000  }
0xc5: {  	[sflag:s7] =	ssyncset.done $0x0  }
0xc6: {  	[sflag:s7] =	ssyncadd.s32 $0xFFFF1000  }
0xc7: {  	[tilespmem:s3], [sflag:$0x2] =	stream.linear.gather [hbm4b:s16+s2], $0xF000, $0x38;
	[tilespmem:$0x1E000] =	vst v63  }
0xc8: {  	_ =	swait.ge [sflag:s4], $0xF000  }
0xc9: {  	[sflag:s4] =	ssyncset.done $0x0  }
0xca: {  	[sflag:s4] =	ssyncadd.s32 $0xFFFF1000  }
0xcb: {  	[hbm4b:s17+s2] =	stream.linear.scatter [tilespmem:s2], [sflag:$0x3], $0xF000, $0x38;
	[tilespmem:$0x1E000] =	vst v63  }
0xcc: {  	_ =	swait.ge [sflag:s5], $0xF000  }
0xcd: {  	[sflag:s5] =	ssyncset.done $0x0  }
0xce: {  	[sflag:s5] =	ssyncadd.s32 $0xFFFF1000  }
0xcf: {  	[tilespmem:s2], [sflag:$0x1] =	stream.linear.gather [hbm4b:s18+s2], $0xF000, $0x38;
	[tilespmem:$0x1E000] =	vst v63  }
0xd0: {  	_ =	swait.ge [sflag:s6], $0xF000  }
0xd1: {  	[sflag:s6] =	ssyncset.done $0x0  }
0xd2: {  	[sflag:s6] =	ssyncadd.s32 $0xFFFF1000  }
0xd3: {  	[hbm4b:s19+s2] =	stream.linear.scatter [tilespmem:s3], [sflag:$0x4], $0xF000, $0x38;
	[tilespmem:$0x1E000] =	vst v63  }
0xd4: {  	_ =	swait.ge [sflag:s7], $0xF000  }
0xd5: {  	[sflag:s7] =	ssyncset.done $0x0  }
0xd6: {  	[sflag:s7] =	ssyncadd.s32 $0xFFFF1000  }
0xd7: {  	[tilespmem:s3], [sflag:$0x2] =	stream.linear.gather [hbm4b:s20+s2], $0xF000, $0x38;
	[tilespmem:$0x1E000] =	vst v63  }
0xd8: {  	_ =	swait.ge [sflag:s4], $0xF000  }
0xd9: {  	[sflag:s4] =	ssyncset.done $0x0  }
0xda: {  	[sflag:s4] =	ssyncadd.s32 $0xFFFF1000  }
0xdb: {  	[hbm4b:s21+s2] =	stream.linear.scatter [tilespmem:s2], [sflag:$0x3], $0xF000, $0x38;
	[tilespmem:$0x1E000] =	vst v63  }
0xdc: {  	_ =	swait.ge [sflag:s5], $0xF000  }
0xdd: {  	[sflag:s5] =	ssyncset.done $0x0  }
0xde: {  	[sflag:s5] =	ssyncadd.s32 $0xFFFF1000  }
0xdf: {  	[tilespmem:s2], [sflag:$0x1] =	stream.linear.gather [hbm4b:s22+s2], $0xF000, $0x38;
	[tilespmem:$0x1E000] =	vst v63  }
0xe0: {  	_ =	swait.ge [sflag:s6], $0xF000  }
0xe1: {  	[sflag:s6] =	ssyncset.done $0x0  }
0xe2: {  	[sflag:s6] =	ssyncadd.s32 $0xFFFF1000  }
0xe3: {  	[hbm4b:s23+s2] =	stream.linear.scatter [tilespmem:s3], [sflag:$0x4], $0xF000, $0x38;
	[tilespmem:$0x1E000] =	vst v63  }
0xe4: {  	_ =	swait.ge [sflag:s4], $0xF000  }
0xe5: {  	[sflag:s4] =	ssyncset.done $0x0  }
0xe6: {  	[sflag:s4] =	ssyncadd.s32 $0xFFFF1000  }
0xe7: {  	[hbm4b:s24+s2] =	stream.linear.scatter [tilespmem:s2], [sflag:$0x3], $0xF000, $0x38;
	[tilespmem:$0x1E000] =	vst v63  }
0xe8: {  	_ =	swait.ge [sflag:s7], $0xF000  }
0xe9: {  	[sflag:s7] =	ssyncset.done $0x0  }
0xea: {  	[sflag:s7] =	ssyncadd.s32 $0xFFFF1000  }
0xeb: {  	[tilespmem:s28], [sflag:$0x2] =	stream.linear.gather @!p0 [hbm4b:s25+s26], $0x2800, $0x38;
	[tilespmem:$0x1E000] =	vst v63  }
0xec: {  	_ =	swait.ge @!p0 [sflag:s29], $0x2800  }
0xed: {  	s1 =	sadd.s32 $0xFFFFFFFF, s1;
	[sflag:s29] =	ssyncset.done @!p0 $0x0  }
0xee: {  	p1 =	sne.s32 s1, $0x0;
	[sflag:s29] =	ssyncadd.s32 @!p0 $0xFFFFD800  }
0xef: {  	[hbm4b:s30+s26] =	stream.linear.scatter @!p0 [tilespmem:s28], [sflag:$0x4], $0x2800, $0x38;
	[tilespmem:$0x1E000] =	vst v63  }
.Ltmp1:
0xf0: {  	_ =	swait.ge @!p0 [sflag:s31], $0x2800;
	(pc) =	sbr.rel @p1 .LBB2_2-.Ltmp1, $4  }
0xf1: {  	[sflag:s31] =	ssyncset.done @!p0 $0x0  }
0xf2: {  	[sflag:s31] =	ssyncadd.s32 @!p0 $0xFFFFD800  }
0xf3: {  	_ =	swait.ge [sflag:s5], $0xF000  }
0xf4: {  	[sflag:s5] =	ssyncset.done $0x0  }
.LBB2_3:
0xf5: {  	[sflag:s5] =	ssyncadd.s32 $0xFFFF1000  }
0xf6: {  	_ =	sfence.sel $0x180000  }
0xf7: {  	[bflag:$0x0] =	sbarrier.arrive $0xFFFF  }
0xf8: {  	_ =	strace $0x90000047  }
0xf9: {  	s0 =	stileid.u32;
	[bflag:$0x2] =	sbarrier.arrive $0xFFFF  }
0xfa: {  	p0 =	sne.s32 s0, $0x0;
	s0 =	rddreg [dreg:$0x2]  }
0xfb: {  	s0 =	sadd.s32 @!p0 $0x100000, s0  }
0xfc: {  	[sflag:s0] =	ssyncadd.tile.s32 @!p0 $0x1;
	_ =	shalt  }
.Lfunc_end2:
_tile_overlayer_lowered:
.L_overlay_start_2:
0xfd: {  	(tag) =	ssettag $0x2  }
0xfe: {  	s0 =	rddreg [dreg:$0x0];
	s2 =	stileid.u32  }
0xff: {  	s1 =	rddreg [dreg:$0x1];
	p0 =	sne.s32 s2, $0x0  }
0x100: {  	s3 =	rddreg [dreg:$0x2];
	[bflag:$0x3] =	sbarrier.arrive $0xFFFF;
	s2 =	simm.s32 @!p0 $0x1C05  }
0x101: {  	[timem:s3], [sflag:s2] =	dma.local @!p0 [hbm:s0], s1  }
0x102: {  	s0 =	simm.s32 @!p0 $0x5  }
0x103: {  	_ =	swait.ge @!p0 [sflag:s0], s1  }
0x104: {  	s1 =	ssub.s32 @!p0 $0x0, s1;
	[sflag:s0] =	ssyncset.done @!p0 $0x0  }
0x105: {  	[sflag:s0] =	ssyncadd.s32 @!p0 s1  }
0x106: {  	[bflag:$0x3] =	sbarrier.arrive $0xFFFF  }
0x107: {  	_ =	shalt  }

</sc_bundles>
